<compile_context>
chip_gen: v7x
topology: tpu7x:2x2x1
jax: 0.10.2.dev20260603
libtpu: 0.0.44.dev20260713+nightly
codegen_flags: <defaults>
</compile_context>

<pallas_src>
import functools
import math

import jax
import jax.numpy as jnp
from jax import lax
from jax.experimental import pallas as pl
from jax.experimental.pallas import tpu as pltpu
from jax.experimental.pallas import tpu_sc as plsc

_B, _L, _D, _FFN = 4, 4096, 45, 128
_DP = 48
_U = 45
_NC, _NS = 2, 16
_CW = 16
_IPT = _L // _NS


def _sc_counts(idx):
    mesh = plsc.VectorSubcoreMesh(core_axis_name="c", subcore_axis_name="s",
                                  num_cores=_NC, num_subcores=_NS)

    @functools.partial(
        pl.kernel,
        out_type=jax.ShapeDtypeStruct((_L, _CW), jnp.float32),
        mesh=mesh,
        scratch_types=[
            pltpu.VMEM((_IPT,), jnp.int32),
            pltpu.VMEM((_IPT, _CW), jnp.float32),
            pltpu.VMEM_SHARED((_L, _CW), jnp.float32),
        ],
        compiler_params=pltpu.CompilerParams(use_tc_tiling_on_sc=False),
    )
    def counts_kernel(idx_hbm, out_hbm, idx_v, buf_v, shared):
        c = lax.axis_index("c")
        t = lax.axis_index("s")

        @pl.when(c == 0)
        def _():
            def fill_zero(i, carry):
                buf_v[i, :] = jnp.zeros((_CW,), jnp.float32)
                return carry

            lax.fori_loop(0, _IPT, fill_zero, 0)
            pltpu.sync_copy(buf_v, shared.at[pl.ds(t * _IPT, _IPT)])
            pltpu.sync_copy(idx_hbm.at[pl.ds(t * _IPT, _IPT)], idx_v)

            def fill_one(i, carry):
                buf_v[i, :] = jnp.ones((_CW,), jnp.float32)
                return carry

            lax.fori_loop(0, _IPT, fill_one, 0)
            plsc.subcore_barrier()
            pltpu.sync_copy(buf_v, shared.at[idx_v], add=True)
            plsc.subcore_barrier()
            pltpu.sync_copy(shared.at[pl.ds(t * _IPT, _IPT)],
                            out_hbm.at[pl.ds(t * _IPT, _IPT)])

    return counts_kernel(idx)


def _stage_b(x48, cnt):
    QB, KB = 1024, 512

    def body(x_ref, c_ref, m_ref):
        crow = c_ref[0]
        s_vec = lax.dot_general(crow, x_ref[0], (((1,), (0,)), ((), ())),
                                preferred_element_type=jnp.float32)
        for qb in range(_L // QB):
            q = x_ref[0, pl.ds(qb * QB, QB), :]
            qs = lax.dot_general(q, s_vec, (((1,), (1,)), ((), ())),
                                 preferred_element_type=jnp.float32)
            mx = jnp.full((QB,), -jnp.inf, jnp.float32)
            for kb in range(_L // KB):
                k = x_ref[0, pl.ds(kb * KB, KB), :]
                cb = c_ref[0, 0, pl.ds(kb * KB, KB)]
                bias = jnp.reshape(jnp.where(cb > 0.0, 0.0, -1e30), (1, KB))
                s = lax.dot_general(q, k, (((1,), (1,)), ((), ())),
                                    preferred_element_type=jnp.float32)
                mx = jnp.maximum(mx, jnp.max(s + bias, axis=1))
            m_ref[0, 0, pl.ds(qb * QB, QB)] = mx - jnp.reshape(qs, (QB,)) * (1.0 / _L)

    return pl.pallas_call(
        body,
        grid=(_B,),
        in_specs=[pl.BlockSpec((1, _L, _DP), lambda b: (b, 0, 0)),
                  pl.BlockSpec((1, 1, _L), lambda b: (0, 0, 0))],
        out_specs=pl.BlockSpec((1, 1, _L), lambda b: (b, 0, 0)),
        out_shape=jax.ShapeDtypeStruct((_B, 1, _L), jnp.float32),
    )(x48, cnt)


def _layer_norm_rows(v, g, b, eps=1e-12):
    mean = jnp.mean(v, axis=1, keepdims=True)
    var = jnp.mean((v - mean) ** 2, axis=1, keepdims=True)
    return g * (v - mean) / jnp.sqrt(var + eps) + b


def _stage_c(x, m2, gamma1, beta1, gamma2, beta2, w1, b1, w2, b2):
    scale = 1.0 / math.sqrt(_D)

    def body(x_ref, m_ref, g1_ref, bt1_ref, g2_ref, bt2_ref,
             w1_ref, b1_ref, w2_ref, b2_ref, o_ref, msc, isel):
        msc[...] = m_ref[...]
        lane = lax.broadcasted_iota(jnp.int32, (_B, _L), 1)
        lane1 = lax.broadcasted_iota(jnp.int32, (1, _L), 1)

        def step(r, carry):
            m = msc[...]
            mx = jnp.max(m, axis=1, keepdims=True)
            idx = jnp.min(jnp.where(m == mx, lane, _L), axis=1, keepdims=True)
            msc[...] = jnp.where(lane == idx, -jnp.inf, m)
            isel[r] = idx
            return carry

        lax.fori_loop(0, _U, step, 0)
        ranks = isel[...]

        for b in range(_B):
            xb = x_ref[b]
            rb = jnp.reshape(
                lax.slice(ranks, (0, b, 0), (_U, b + 1, 1)), (_U, 1))
            ohb = jnp.where(rb == lane1, 1.0, 0.0)
            qr = lax.dot_general(ohb, xb, (((1,), (0,)), ((), ())),
                                 preferred_element_type=jnp.float32)
            s2 = lax.dot_general(qr, xb, (((1,), (1,)), ((), ())),
                                 preferred_element_type=jnp.float32) * scale
            p = jnp.exp(s2 - jnp.max(s2, axis=1, keepdims=True))
            p = p / jnp.sum(p, axis=1, keepdims=True)
            attn = lax.dot_general(p, xb, (((1,), (0,)), ((), ())),
                                   preferred_element_type=jnp.float32)
            h = _layer_norm_rows(attn, g1_ref[...], bt1_ref[...])
            a = lax.dot_general(h, w1_ref[...], (((0,), (0,)), ((), ())),
                                preferred_element_type=jnp.float32)
            g = jnp.maximum(a + b1_ref[...], 0.0)
            h2 = lax.dot_general(w2_ref[...], g, (((0,), (1,)), ((), ())),
                                 preferred_element_type=jnp.float32)
            h2 = h2 + jnp.reshape(b2_ref[...], (_D, 1))
            o_ref[b] = _layer_norm_rows(h2, g2_ref[...], bt2_ref[...])

    return pl.pallas_call(
        body,
        out_shape=jax.ShapeDtypeStruct((_B, _U, _D), jnp.float32),
        scratch_shapes=[pltpu.VMEM((_B, _L), jnp.float32),
                        pltpu.VMEM((_U, _B, 1), jnp.int32)],
    )(x, m2, gamma1, beta1, gamma2, beta2, w1, b1, w2, b2)


def kernel(x, gamma1, beta1, gamma2, beta2, W1, b1, W2, b2, index_sample):
    cnt16 = _sc_counts(index_sample.astype(jnp.int32))
    cnt = jnp.reshape(cnt16[:, 0], (1, 1, _L))
    x48 = jnp.pad(x, ((0, 0), (0, 0), (0, _DP - _D)))
    m3 = _stage_b(x48, cnt)
    m2 = m3.reshape(_B, _L)
    return _stage_c(x, m2, gamma1, beta1, gamma2, beta2, W1, b1, W2, b2)

# --- scband reference (transcript-rebuilt; emitter-appended) ---
"""Pipeline reference for scband-encoder-layer-81690277970516 (READ-ONLY COPY).

The authoritative reference and input builder live on the scoring server;
editing this copy changes nothing except your own understanding.
"""

import jax, jax.numpy as jnp
import numpy as np
import math

B, L, D = 4, 4096, 45
FFN = 128
SAMPLING_FACTOR = 5


def setup_inputs(seed: int = 0) -> dict:
    key = jax.random.key(seed)
    ks = jax.random.split(key, 6)
    x = jax.random.normal(ks[0], (B, L, D), dtype=jnp.float32)
    gamma1 = jnp.ones((D,), jnp.float32)
    beta1 = jnp.zeros((D,), jnp.float32)
    gamma2 = jnp.ones((D,), jnp.float32)
    beta2 = jnp.zeros((D,), jnp.float32)
    W1 = jax.random.normal(ks[1], (D, FFN), jnp.float32) * 0.05
    b1 = jnp.zeros((FFN,), jnp.float32)
    W2 = jax.random.normal(ks[2], (FFN, D), jnp.float32) * 0.05
    b2 = jnp.zeros((D,), jnp.float32)
    log_L_K = math.ceil(math.log1p(L))
    U_part = min(SAMPLING_FACTOR * L * log_L_K, L)
    index_sample = jax.random.randint(ks[3], (U_part,), 0, L, dtype=jnp.int32)
    return {"x": x, "gamma1": gamma1, "beta1": beta1, "gamma2": gamma2,
            "beta2": beta2, "W1": W1, "b1": b1, "W2": W2, "b2": b2,
            "index_sample": index_sample}


def _layer_norm(x, g, b, eps=1e-12):
    mean = jnp.mean(x, axis=-1, keepdims=True)
    var = jnp.mean((x - mean) ** 2, axis=-1, keepdims=True)
    return g * (x - mean) / jnp.sqrt(var + eps) + b


def reference(x, gamma1, beta1, gamma2, beta2, W1, b1, W2, b2, index_sample):
    # probsparse self-attention (Q = K = V = x); dropout is identity (eval mode)
    L_K = x.shape[1]
    L_Q = x.shape[1]
    K_sample = x[:, index_sample, :]                      # gather sampled keys
    Q_K_sample = jnp.einsum('bqd,bkd->bqk', x, K_sample)  # [B, L_Q, U_part]
    M = jnp.max(Q_K_sample, axis=-1) - jnp.sum(Q_K_sample, axis=-1) / L_K
    u = min(SAMPLING_FACTOR * math.ceil(math.log1p(L_Q)), L_Q)  # = 45 = d_model
    _, M_top = jax.lax.top_k(M, u)                        # [B, u]
    Q_reduce = jnp.take_along_axis(x, M_top[:, :, None], axis=1)  # [B, u, D]
    d_k = x.shape[-1]
    attn_scores = jnp.einsum('bud,bkd->buk', Q_reduce, x) / math.sqrt(d_k)
    attn_probs = jax.nn.softmax(attn_scores, axis=-1)
    attn_output = jnp.einsum('buk,bkd->bud', attn_probs, x)  # [B, u, D]
    h = _layer_norm(attn_output, gamma1, beta1)
    ht = jnp.swapaxes(h, 1, 2)                            # [B, D, u], u == d_model
    f = jax.nn.relu(ht @ W1 + b1) @ W2 + b2               # positionwise FFN
    h2 = jnp.swapaxes(f, 1, 2)                            # [B, u, D]
    out = _layer_norm(h2, gamma2, beta2)
    return out

if __name__ == "__main__":
    import jax
    _d = setup_inputs()
    print(jax.jit(kernel)(*tuple(_d.values())))

</pallas_src>

<mosaic_0001>
#map = affine_map<(d0, d1) -> (0)>
#map1 = affine_map<(d0, d1) -> (0, 0)>
module attributes {stable_mosaic.version = 14 : i64} {
  func.func @counts_kernel(%arg0: i32, %arg1: i32, %arg2: memref<4096xi32, #tpu.memory_space<hbm>>, %arg3: memref<4096x16xf32, #tpu.memory_space<hbm>>, %arg4: memref<256xi32, #tpu.memory_space<vmem>>, %arg5: memref<256x16xf32, #tpu.memory_space<vmem>>, %arg6: memref<4096x16xf32, #tpu.memory_space<vmem_shared>>) attributes {dimension_semantics = [#tpu.dimension_semantics<core_parallel>, #tpu.dimension_semantics<subcore_parallel>], iteration_bounds = array<i64: 2, 16>, scalar_prefetch = 0 : i64, scratch_operands = 3 : i64, tpu.core_type = #tpu.core_type<sc_vector_subcore>, window_params = [{transform_indices = #map}, {transform_indices = #map1}]} {
    %eq3A = arith.constant 0 : i32
    %eq3A_0 = arith.cmpi eq, %arg0, %eq3A : i32
    %convert_element_type3A = arith.extui %eq3A_0 : i1 to i32
    %cond3A = arith.constant 0 : i32
    %cond3A_1 = arith.cmpi ne, %convert_element_type3A, %cond3A : i32
    scf.if %cond3A_1 {
      %scan3A = arith.constant 0 : i32
      %scan3A_2 = arith.constant 0 : i32
      %scan3A_3 = arith.constant 256 : i32
      %scan3A_4 = arith.addi %scan3A_2, %scan3A_3 : i32
      %scan3A_5 = arith.constant 1 : i32
      scf.for %scan3A_21 = %scan3A_2 to %scan3A_4 step %scan3A_5  : i32 {
        %broadcast_in_dim3A = arith.constant 0.000000e+00 : f32
        %broadcast_in_dim3A_22 = vector.broadcast %broadcast_in_dim3A : f32 to vector<16xf32>
        %swap3A = arith.index_cast %scan3A_21 : i32 to index
        %swap3A_23 = arith.constant 0 : index
        %swap3A_24 = tpu.vector_load %arg5[%swap3A, %swap3A_23] {strides = array<i32>} : memref<256x16xf32, #tpu.memory_space<vmem>>, vector<1x16xf32>,
        %swap3A_25 = vector.shape_cast %swap3A_24 : vector<1x16xf32> to vector<16xf32>
        %swap3A_26 = vector.shape_cast %broadcast_in_dim3A_22 : vector<16xf32> to vector<1x16xf32>
        tpu.vector_store %arg5[%swap3A, %swap3A_23], %swap3A_26 {strides = array<i32>} : memref<256x16xf32, #tpu.memory_space<vmem>>, vector<1x16xf32>,
      }
      %scan3A_6 = arith.constant 256 : i32
      %mul3A = arith.constant 256 : i32
      %mul3A_7 = arith.muli %arg1, %mul3A : i32
      "tpu.region"() ({
        %run_scoped3A = tpu.sem_alloc : memref<!tpu.dma_semaphore, #tpu.memory_space<semaphore_mem>>
        %dma_start3A = arith.constant 0 : i32
        %dma_start3A_21 = tpu.memref_slice %arg6[%mul3A_7, %dma_start3A] : memref<4096x16xf32, #tpu.memory_space<vmem_shared>> -> memref<256x16xf32, #tpu.memory_space<vmem_shared>>
        %dma_start3A_22 = arith.constant 0 : i32
        %dma_start3A_23 = tpu.memref_slice %arg6[%mul3A_7, %dma_start3A_22] : memref<4096x16xf32, #tpu.memory_space<vmem_shared>> -> memref<256x16xf32, #tpu.memory_space<vmem_shared>>
        tpu.enqueue_dma source(%arg5 : memref<256x16xf32, #tpu.memory_space<vmem>>) target(%dma_start3A_23 : memref<256x16xf32, #tpu.memory_space<vmem_shared>>) target_semaphore(%run_scoped3A : memref<!tpu.dma_semaphore, #tpu.memory_space<semaphore_mem>>)
        %dma_wait3A = arith.constant 0 : i32
        %dma_wait3A_24 = tpu.memref_slice %arg6[%mul3A_7, %dma_wait3A] : memref<4096x16xf32, #tpu.memory_space<vmem_shared>> -> memref<256x16xf32, #tpu.memory_space<vmem_shared>>
        %dma_wait3A_25 = arith.constant 0 : i32
        %dma_wait3A_26 = tpu.memref_slice %arg6[%mul3A_7, %dma_wait3A_25] : memref<4096x16xf32, #tpu.memory_space<vmem_shared>> -> memref<256x16xf32, #tpu.memory_space<vmem_shared>>
        tpu.wait_dma2 semaphore(%run_scoped3A : memref<!tpu.dma_semaphore, #tpu.memory_space<semaphore_mem>>) src(%arg5 : memref<256x16xf32, #tpu.memory_space<vmem>>) dst(%dma_wait3A_26 : memref<256x16xf32, #tpu.memory_space<vmem_shared>>)
        tpu.yield
      }) : () -> ()
      %mul3A_8 = arith.constant 256 : i32
      %mul3A_9 = arith.muli %arg1, %mul3A_8 : i32
      "tpu.region"() ({
        %run_scoped3A = tpu.sem_alloc : memref<!tpu.dma_semaphore, #tpu.memory_space<semaphore_mem>>
        %dma_start3A = tpu.memref_slice %arg2[%mul3A_9] : memref<4096xi32, #tpu.memory_space<hbm>> -> memref<256xi32, #tpu.memory_space<hbm>>
        %dma_start3A_21 = tpu.memref_slice %arg2[%mul3A_9] : memref<4096xi32, #tpu.memory_space<hbm>> -> memref<256xi32, #tpu.memory_space<hbm>>
        tpu.enqueue_dma source(%dma_start3A_21 : memref<256xi32, #tpu.memory_space<hbm>>) target(%arg4 : memref<256xi32, #tpu.memory_space<vmem>>) target_semaphore(%run_scoped3A : memref<!tpu.dma_semaphore, #tpu.memory_space<semaphore_mem>>)
        %dma_wait3A = tpu.memref_slice %arg2[%mul3A_9] : memref<4096xi32, #tpu.memory_space<hbm>> -> memref<256xi32, #tpu.memory_space<hbm>>
        %dma_wait3A_22 = tpu.memref_slice %arg2[%mul3A_9] : memref<4096xi32, #tpu.memory_space<hbm>> -> memref<256xi32, #tpu.memory_space<hbm>>
        tpu.wait_dma2 semaphore(%run_scoped3A : memref<!tpu.dma_semaphore, #tpu.memory_space<semaphore_mem>>) src(%dma_wait3A_22 : memref<256xi32, #tpu.memory_space<hbm>>) dst(%arg4 : memref<256xi32, #tpu.memory_space<vmem>>)
        tpu.yield
      }) : () -> ()
      %scan3A_10 = arith.constant 0 : i32
      %scan3A_11 = arith.constant 0 : i32
      %scan3A_12 = arith.constant 256 : i32
      %scan3A_13 = arith.addi %scan3A_11, %scan3A_12 : i32
      %scan3A_14 = arith.constant 1 : i32
      scf.for %scan3A_21 = %scan3A_11 to %scan3A_13 step %scan3A_14  : i32 {
        %broadcast_in_dim3A = arith.constant 1.000000e+00 : f32
        %broadcast_in_dim3A_22 = vector.broadcast %broadcast_in_dim3A : f32 to vector<16xf32>
        %swap3A = arith.index_cast %scan3A_21 : i32 to index
        %swap3A_23 = arith.constant 0 : index
        %swap3A_24 = tpu.vector_load %arg5[%swap3A, %swap3A_23] {strides = array<i32>} : memref<256x16xf32, #tpu.memory_space<vmem>>, vector<1x16xf32>,
        %swap3A_25 = vector.shape_cast %swap3A_24 : vector<1x16xf32> to vector<16xf32>
        %swap3A_26 = vector.shape_cast %broadcast_in_dim3A_22 : vector<16xf32> to vector<1x16xf32>
        tpu.vector_store %arg5[%swap3A, %swap3A_23], %swap3A_26 {strides = array<i32>} : memref<256x16xf32, #tpu.memory_space<vmem>>, vector<1x16xf32>,
      }
      %scan3A_15 = arith.constant 256 : i32
      %barrier3A = arith.constant 0 : index
      tpu.barrier barrier_id(%barrier3A)
      "tpu.region"() ({
        %run_scoped3A = tpu.sem_alloc : memref<!tpu.dma_semaphore, #tpu.memory_space<semaphore_mem>>
        %dma_start3A = arith.constant 0 : i32
        %dma_start3A_21 = arith.constant 0 : i32
        %dma_start3A_22 = tpu.memref_slice %arg6[%dma_start3A, %dma_start3A_21] : memref<4096x16xf32, #tpu.memory_space<vmem_shared>> -> memref<4096x16xf32, #tpu.memory_space<vmem_shared>>
        tpu.enqueue_indirect_dma source(%arg5 : memref<256x16xf32, #tpu.memory_space<vmem>>) target(%dma_start3A_22 : memref<4096x16xf32, #tpu.memory_space<vmem_shared>>) offsets(%arg4 : memref<256xi32, #tpu.memory_space<vmem>>) semaphore(%run_scoped3A : memref<!tpu.dma_semaphore, #tpu.memory_space<semaphore_mem>>) {add = true}
        %dma_wait3A = arith.constant 0 : i32
        %dma_wait3A_23 = arith.constant 0 : i32
        %dma_wait3A_24 = tpu.memref_slice %arg6[%dma_wait3A, %dma_wait3A_23] : memref<4096x16xf32, #tpu.memory_space<vmem_shared>> -> memref<4096x16xf32, #tpu.memory_space<vmem_shared>>
        tpu.wait_indirect_dma semaphore(%run_scoped3A : memref<!tpu.dma_semaphore, #tpu.memory_space<semaphore_mem>>) src(%arg5 : memref<256x16xf32, #tpu.memory_space<vmem>>) dst(%dma_wait3A_24 : memref<4096x16xf32, #tpu.memory_space<vmem_shared>>)
        tpu.yield
      }) : () -> ()
      %barrier3A_16 = arith.constant 0 : index
      tpu.barrier barrier_id(%barrier3A_16)
      %mul3A_17 = arith.constant 256 : i32
      %mul3A_18 = arith.muli %arg1, %mul3A_17 : i32
      %mul3A_19 = arith.constant 256 : i32
      %mul3A_20 = arith.muli %arg1, %mul3A_19 : i32
      "tpu.region"() ({
        %run_scoped3A = tpu.sem_alloc : memref<!tpu.dma_semaphore, #tpu.memory_space<semaphore_mem>>
        %dma_start3A = arith.constant 0 : i32
        %dma_start3A_21 = tpu.memref_slice %arg3[%mul3A_20, %dma_start3A] : memref<4096x16xf32, #tpu.memory_space<hbm>> -> memref<256x16xf32, #tpu.memory_space<hbm>>
        %dma_start3A_22 = arith.constant 0 : i32
        %dma_start3A_23 = tpu.memref_slice %arg6[%mul3A_18, %dma_start3A_22] : memref<4096x16xf32, #tpu.memory_space<vmem_shared>> -> memref<256x16xf32, #tpu.memory_space<vmem_shared>>
        tpu.enqueue_dma source(%dma_start3A_23 : memref<256x16xf32, #tpu.memory_space<vmem_shared>>) target(%dma_start3A_21 : memref<256x16xf32, #tpu.memory_space<hbm>>) target_semaphore(%run_scoped3A : memref<!tpu.dma_semaphore, #tpu.memory_space<semaphore_mem>>)
        %dma_wait3A = arith.constant 0 : i32
        %dma_wait3A_24 = tpu.memref_slice %arg3[%mul3A_20, %dma_wait3A] : memref<4096x16xf32, #tpu.memory_space<hbm>> -> memref<256x16xf32, #tpu.memory_space<hbm>>
        %dma_wait3A_25 = arith.constant 0 : i32
        %dma_wait3A_26 = tpu.memref_slice %arg6[%mul3A_18, %dma_wait3A_25] : memref<4096x16xf32, #tpu.memory_space<vmem_shared>> -> memref<256x16xf32, #tpu.memory_space<vmem_shared>>
        tpu.wait_dma2 semaphore(%run_scoped3A : memref<!tpu.dma_semaphore, #tpu.memory_space<semaphore_mem>>) src(%dma_wait3A_26 : memref<256x16xf32, #tpu.memory_space<vmem_shared>>) dst(%dma_wait3A_24 : memref<256x16xf32, #tpu.memory_space<hbm>>)
        tpu.yield
      }) : () -> ()
    } else {
    }
    return
  }
}

module attributes {stable_mosaic.version = 14 : i64} {
  func.func @body(%arg0: i32, %arg1: memref<1x4096x48xf32, #tpu.memory_space<vmem>>, %arg2: memref<1x1x4096xf32, #tpu.memory_space<vmem>>, %arg3: memref<1x1x4096xf32, #tpu.memory_space<vmem>>) attributes {dimension_semantics = [#tpu.dimension_semantics<arbitrary>], iteration_bounds = array<i64: 4>, scalar_prefetch = 0 : i64, scratch_operands = 0 : i64, tpu.core_type = #tpu.core_type<tc>, window_params = [{transform_indices = @transform_0, window_bounds = array<i64: 1, 4096, 48>}, {pipeline_mode = #tpu.pipeline_mode<synchronous>, transform_indices = @transform_1, window_bounds = array<i64: 1, 1, 4096>}, {transform_indices = @transform_2, window_bounds = array<i64: 1, 1, 4096>}]} {
    %get3A = arith.constant 0 : index
    %get3A_0 = arith.constant 0 : index
    %get3A_1 = arith.constant 0 : index
    %get3A_2 = vector.load %arg2[%get3A, %get3A_0, %get3A_1] : memref<1x1x4096xf32, #tpu.memory_space<vmem>>, vector<1x1x4096xf32>
    %get3A_3 = vector.shape_cast %get3A_2 : vector<1x1x4096xf32> to vector<1x4096xf32>
    %get3A_4 = arith.constant 0 : index
    %get3A_5 = arith.constant 0 : index
    %get3A_6 = arith.constant 0 : index
    %get3A_7 = vector.load %arg1[%get3A_4, %get3A_5, %get3A_6] : memref<1x4096x48xf32, #tpu.memory_space<vmem>>, vector<1x4096x48xf32>
    %get3A_8 = vector.shape_cast %get3A_7 : vector<1x4096x48xf32> to vector<4096x48xf32>
    %dot_general3A = arith.constant dense<0.000000e+00> : vector<1x48xf32>
    %dot_general3A_9 = tpu.matmul %get3A_3, %get3A_8, %dot_general3A {dimension_numbers = #tpu.dot_dimension_numbers<[1], [0], [0], [1], [0, 0, 1, 1], [], []>, transpose_lhs_hint = false} : vector<1x4096xf32>, vector<4096x48xf32>, vector<1x48xf32> -> vector<1x48xf32>
    %get3A_10 = arith.constant 0 : index
    %get3A_11 = arith.constant 0 : index
    %get3A_12 = arith.constant 0 : index
    %get3A_13 = vector.load %arg1[%get3A_10, %get3A_11, %get3A_12] : memref<1x4096x48xf32, #tpu.memory_space<vmem>>, vector<1x1024x48xf32>
    %get3A_14 = vector.shape_cast %get3A_13 : vector<1x1024x48xf32> to vector<1024x48xf32>
    %dot_general3A_15 = arith.constant dense<0.000000e+00> : vector<1024x1xf32>
    %dot_general3A_16 = tpu.matmul %get3A_14, %dot_general3A_9, %dot_general3A_15 {dimension_numbers = #tpu.dot_dimension_numbers<[1], [1], [0], [0], [0, 0, 1, 0], [], []>, transpose_lhs_hint = false} : vector<1024x48xf32>, vector<1x48xf32>, vector<1024x1xf32> -> vector<1024x1xf32>
    %broadcast_in_dim3A = arith.constant 0xFF800000 : f32
    %broadcast_in_dim3A_17 = vector.broadcast %broadcast_in_dim3A : f32 to vector<1024xf32>
    %get3A_18 = arith.constant 0 : index
    %get3A_19 = arith.constant 0 : index
    %get3A_20 = arith.constant 0 : index
    %get3A_21 = vector.load %arg1[%get3A_18, %get3A_19, %get3A_20] : memref<1x4096x48xf32, #tpu.memory_space<vmem>>, vector<1x512x48xf32>
    %get3A_22 = vector.shape_cast %get3A_21 : vector<1x512x48xf32> to vector<512x48xf32>
    %get3A_23 = arith.constant 0 : index
    %get3A_24 = arith.constant 0 : index
    %get3A_25 = arith.constant 0 : index
    %get3A_26 = vector.load %arg2[%get3A_23, %get3A_24, %get3A_25] : memref<1x1x4096xf32, #tpu.memory_space<vmem>>, vector<1x1x512xf32>
    %get3A_27 = vector.shape_cast %get3A_26 : vector<1x1x512xf32> to vector<512xf32>
    %gt3A = arith.constant 0.000000e+00 : f32
    %gt3A_28 = vector.broadcast %gt3A : f32 to vector<512xf32>
    %gt3A_29 = arith.cmpf ogt, %get3A_27, %gt3A_28 : vector<512xf32>
    %jit3A = arith.constant 0.000000e+00 : f32
    %jit3A_30 = arith.constant -1.000000e+30 : f32
    %broadcast_in_dim3A_31 = vector.broadcast %jit3A : f32 to vector<512xf32>
    %broadcast_in_dim3A_32 = vector.broadcast %jit3A_30 : f32 to vector<512xf32>
    %select_n3A = arith.select %gt3A_29, %broadcast_in_dim3A_31, %broadcast_in_dim3A_32 : vector<512xi1>, vector<512xf32>
    %reshape3A = vector.shape_cast %select_n3A : vector<512xf32> to vector<1x512xf32>
    %dot_general3A_33 = arith.constant dense<0.000000e+00> : vector<1024x512xf32>
    %dot_general3A_34 = tpu.matmul %get3A_14, %get3A_22, %dot_general3A_33 {dimension_numbers = #tpu.dot_dimension_numbers<[1], [1], [0], [0], [0, 0, 1, 0], [], []>, transpose_lhs_hint = false} : vector<1024x48xf32>, vector<512x48xf32>, vector<1024x512xf32> -> vector<1024x512xf32>
    %add3A = vector.broadcast %reshape3A : vector<1x512xf32> to vector<1024x512xf32>
    %add3A_35 = arith.addf %dot_general3A_34, %add3A : vector<1024x512xf32>
    %reduce_max3A = arith.constant dense<0xFF800000> : vector<1024xf32>
    %reduce_max3A_36 = vector.multi_reduction <maximumf>, %add3A_35, %reduce_max3A [1] : vector<1024x512xf32> to vector<1024xf32>
    %max3A = arith.maximumf %broadcast_in_dim3A_17, %reduce_max3A_36 : vector<1024xf32>
    %get3A_37 = arith.constant 0 : index
    %get3A_38 = arith.constant 512 : index
    %get3A_39 = arith.constant 0 : index
    %get3A_40 = vector.load %arg1[%get3A_37, %get3A_38, %get3A_39] : memref<1x4096x48xf32, #tpu.memory_space<vmem>>, vector<1x512x48xf32>
    %get3A_41 = vector.shape_cast %get3A_40 : vector<1x512x48xf32> to vector<512x48xf32>
    %get3A_42 = arith.constant 0 : index
    %get3A_43 = arith.constant 0 : index
    %get3A_44 = arith.constant 512 : index
    %get3A_45 = vector.load %arg2[%get3A_42, %get3A_43, %get3A_44] : memref<1x1x4096xf32, #tpu.memory_space<vmem>>, vector<1x1x512xf32>
    %get3A_46 = vector.shape_cast %get3A_45 : vector<1x1x512xf32> to vector<512xf32>
    %gt3A_47 = arith.constant 0.000000e+00 : f32
    %gt3A_48 = vector.broadcast %gt3A_47 : f32 to vector<512xf32>
    %gt3A_49 = arith.cmpf ogt, %get3A_46, %gt3A_48 : vector<512xf32>
    %jit3A_50 = arith.constant 0.000000e+00 : f32
    %jit3A_51 = arith.constant -1.000000e+30 : f32
    %broadcast_in_dim3A_52 = vector.broadcast %jit3A_50 : f32 to vector<512xf32>
    %broadcast_in_dim3A_53 = vector.broadcast %jit3A_51 : f32 to vector<512xf32>
    %select_n3A_54 = arith.select %gt3A_49, %broadcast_in_dim3A_52, %broadcast_in_dim3A_53 : vector<512xi1>, vector<512xf32>
    %reshape3A_55 = vector.shape_cast %select_n3A_54 : vector<512xf32> to vector<1x512xf32>
    %dot_general3A_56 = arith.constant dense<0.000000e+00> : vector<1024x512xf32>
    %dot_general3A_57 = tpu.matmul %get3A_14, %get3A_41, %dot_general3A_56 {dimension_numbers = #tpu.dot_dimension_numbers<[1], [1], [0], [0], [0, 0, 1, 0], [], []>, transpose_lhs_hint = false} : vector<1024x48xf32>, vector<512x48xf32>, vector<1024x512xf32> -> vector<1024x512xf32>
    %add3A_58 = vector.broadcast %reshape3A_55 : vector<1x512xf32> to vector<1024x512xf32>
    %add3A_59 = arith.addf %dot_general3A_57, %add3A_58 : vector<1024x512xf32>
    %reduce_max3A_60 = arith.constant dense<0xFF800000> : vector<1024xf32>
    %reduce_max3A_61 = vector.multi_reduction <maximumf>, %add3A_59, %reduce_max3A_60 [1] : vector<1024x512xf32> to vector<1024xf32>
    %max3A_62 = arith.maximumf %max3A, %reduce_max3A_61 : vector<1024xf32>
    %get3A_63 = arith.constant 0 : index
    %get3A_64 = arith.constant 1024 : index
    %get3A_65 = arith.constant 0 : index
    %get3A_66 = vector.load %arg1[%get3A_63, %get3A_64, %get3A_65] : memref<1x4096x48xf32, #tpu.memory_space<vmem>>, vector<1x512x48xf32>
    %get3A_67 = vector.shape_cast %get3A_66 : vector<1x512x48xf32> to vector<512x48xf32>
    %get3A_68 = arith.constant 0 : index
    %get3A_69 = arith.constant 0 : index
    %get3A_70 = arith.constant 1024 : index
    %get3A_71 = vector.load %arg2[%get3A_68, %get3A_69, %get3A_70] : memref<1x1x4096xf32, #tpu.memory_space<vmem>>, vector<1x1x512xf32>
    %get3A_72 = vector.shape_cast %get3A_71 : vector<1x1x512xf32> to vector<512xf32>
    %gt3A_73 = arith.constant 0.000000e+00 : f32
    %gt3A_74 = vector.broadcast %gt3A_73 : f32 to vector<512xf32>
    %gt3A_75 = arith.cmpf ogt, %get3A_72, %gt3A_74 : vector<512xf32>
    %jit3A_76 = arith.constant 0.000000e+00 : f32
    %jit3A_77 = arith.constant -1.000000e+30 : f32
    %broadcast_in_dim3A_78 = vector.broadcast %jit3A_76 : f32 to vector<512xf32>
    %broadcast_in_dim3A_79 = vector.broadcast %jit3A_77 : f32 to vector<512xf32>
    %select_n3A_80 = arith.select %gt3A_75, %broadcast_in_dim3A_78, %broadcast_in_dim3A_79 : vector<512xi1>, vector<512xf32>
    %reshape3A_81 = vector.shape_cast %select_n3A_80 : vector<512xf32> to vector<1x512xf32>
    %dot_general3A_82 = arith.constant dense<0.000000e+00> : vector<1024x512xf32>
    %dot_general3A_83 = tpu.matmul %get3A_14, %get3A_67, %dot_general3A_82 {dimension_numbers = #tpu.dot_dimension_numbers<[1], [1], [0], [0], [0, 0, 1, 0], [], []>, transpose_lhs_hint = false} : vector<1024x48xf32>, vector<512x48xf32>, vector<1024x512xf32> -> vector<1024x512xf32>
    %add3A_84 = vector.broadcast %reshape3A_81 : vector<1x512xf32> to vector<1024x512xf32>
    %add3A_85 = arith.addf %dot_general3A_83, %add3A_84 : vector<1024x512xf32>
    %reduce_max3A_86 = arith.constant dense<0xFF800000> : vector<1024xf32>
    %reduce_max3A_87 = vector.multi_reduction <maximumf>, %add3A_85, %reduce_max3A_86 [1] : vector<1024x512xf32> to vector<1024xf32>
    %max3A_88 = arith.maximumf %max3A_62, %reduce_max3A_87 : vector<1024xf32>
    %get3A_89 = arith.constant 0 : index
    %get3A_90 = arith.constant 1536 : index
    %get3A_91 = arith.constant 0 : index
    %get3A_92 = vector.load %arg1[%get3A_89, %get3A_90, %get3A_91] : memref<1x4096x48xf32, #tpu.memory_space<vmem>>, vector<1x512x48xf32>
    %get3A_93 = vector.shape_cast %get3A_92 : vector<1x512x48xf32> to vector<512x48xf32>
    %get3A_94 = arith.constant 0 : index
    %get3A_95 = arith.constant 0 : index
    %get3A_96 = arith.constant 1536 : index
    %get3A_97 = vector.load %arg2[%get3A_94, %get3A_95, %get3A_96] : memref<1x1x4096xf32, #tpu.memory_space<vmem>>, vector<1x1x512xf32>
    %get3A_98 = vector.shape_cast %get3A_97 : vector<1x1x512xf32> to vector<512xf32>
    %gt3A_99 = arith.constant 0.000000e+00 : f32
    %gt3A_100 = vector.broadcast %gt3A_99 : f32 to vector<512xf32>
    %gt3A_101 = arith.cmpf ogt, %get3A_98, %gt3A_100 : vector<512xf32>
    %jit3A_102 = arith.constant 0.000000e+00 : f32
    %jit3A_103 = arith.constant -1.000000e+30 : f32
    %broadcast_in_dim3A_104 = vector.broadcast %jit3A_102 : f32 to vector<512xf32>
    %broadcast_in_dim3A_105 = vector.broadcast %jit3A_103 : f32 to vector<512xf32>
    %select_n3A_106 = arith.select %gt3A_101, %broadcast_in_dim3A_104, %broadcast_in_dim3A_105 : vector<512xi1>, vector<512xf32>
    %reshape3A_107 = vector.shape_cast %select_n3A_106 : vector<512xf32> to vector<1x512xf32>
    %dot_general3A_108 = arith.constant dense<0.000000e+00> : vector<1024x512xf32>
    %dot_general3A_109 = tpu.matmul %get3A_14, %get3A_93, %dot_general3A_108 {dimension_numbers = #tpu.dot_dimension_numbers<[1], [1], [0], [0], [0, 0, 1, 0], [], []>, transpose_lhs_hint = false} : vector<1024x48xf32>, vector<512x48xf32>, vector<1024x512xf32> -> vector<1024x512xf32>
    %add3A_110 = vector.broadcast %reshape3A_107 : vector<1x512xf32> to vector<1024x512xf32>
    %add3A_111 = arith.addf %dot_general3A_109, %add3A_110 : vector<1024x512xf32>
    %reduce_max3A_112 = arith.constant dense<0xFF800000> : vector<1024xf32>
    %reduce_max3A_113 = vector.multi_reduction <maximumf>, %add3A_111, %reduce_max3A_112 [1] : vector<1024x512xf32> to vector<1024xf32>
    %max3A_114 = arith.maximumf %max3A_88, %reduce_max3A_113 : vector<1024xf32>
    %get3A_115 = arith.constant 0 : index
    %get3A_116 = arith.constant 2048 : index
    %get3A_117 = arith.constant 0 : index
    %get3A_118 = vector.load %arg1[%get3A_115, %get3A_116, %get3A_117] : memref<1x4096x48xf32, #tpu.memory_space<vmem>>, vector<1x512x48xf32>
    %get3A_119 = vector.shape_cast %get3A_118 : vector<1x512x48xf32> to vector<512x48xf32>
    %get3A_120 = arith.constant 0 : index
    %get3A_121 = arith.constant 0 : index
    %get3A_122 = arith.constant 2048 : index
    %get3A_123 = vector.load %arg2[%get3A_120, %get3A_121, %get3A_122] : memref<1x1x4096xf32, #tpu.memory_space<vmem>>, vector<1x1x512xf32>
    %get3A_124 = vector.shape_cast %get3A_123 : vector<1x1x512xf32> to vector<512xf32>
    %gt3A_125 = arith.constant 0.000000e+00 : f32
    %gt3A_126 = vector.broadcast %gt3A_125 : f32 to vector<512xf32>
    %gt3A_127 = arith.cmpf ogt, %get3A_124, %gt3A_126 : vector<512xf32>
    %jit3A_128 = arith.constant 0.000000e+00 : f32
    %jit3A_129 = arith.constant -1.000000e+30 : f32
    %broadcast_in_dim3A_130 = vector.broadcast %jit3A_128 : f32 to vector<512xf32>
    %broadcast_in_dim3A_131 = vector.broadcast %jit3A_129 : f32 to vector<512xf32>
    %select_n3A_132 = arith.select %gt3A_127, %broadcast_in_dim3A_130, %broadcast_in_dim3A_131 : vector<512xi1>, vector<512xf32>
    %reshape3A_133 = vector.shape_cast %select_n3A_132 : vector<512xf32> to vector<1x512xf32>
    %dot_general3A_134 = arith.constant dense<0.000000e+00> : vector<1024x512xf32>
    %dot_general3A_135 = tpu.matmul %get3A_14, %get3A_119, %dot_general3A_134 {dimension_numbers = #tpu.dot_dimension_numbers<[1], [1], [0], [0], [0, 0, 1, 0], [], []>, transpose_lhs_hint = false} : vector<1024x48xf32>, vector<512x48xf32>, vector<1024x512xf32> -> vector<1024x512xf32>
    %add3A_136 = vector.broadcast %reshape3A_133 : vector<1x512xf32> to vector<1024x512xf32>
    %add3A_137 = arith.addf %dot_general3A_135, %add3A_136 : vector<1024x512xf32>
    %reduce_max3A_138 = arith.constant dense<0xFF800000> : vector<1024xf32>
    %reduce_max3A_139 = vector.multi_reduction <maximumf>, %add3A_137, %reduce_max3A_138 [1] : vector<1024x512xf32> to vector<1024xf32>
    %max3A_140 = arith.maximumf %max3A_114, %reduce_max3A_139 : vector<1024xf32>
    %get3A_141 = arith.constant 0 : index
    %get3A_142 = arith.constant 2560 : index
    %get3A_143 = arith.constant 0 : index
    %get3A_144 = vector.load %arg1[%get3A_141, %get3A_142, %get3A_143] : memref<1x4096x48xf32, #tpu.memory_space<vmem>>, vector<1x512x48xf32>
    %get3A_145 = vector.shape_cast %get3A_144 : vector<1x512x48xf32> to vector<512x48xf32>
    %get3A_146 = arith.constant 0 : index
    %get3A_147 = arith.constant 0 : index
    %get3A_148 = arith.constant 2560 : index
    %get3A_149 = vector.load %arg2[%get3A_146, %get3A_147, %get3A_148] : memref<1x1x4096xf32, #tpu.memory_space<vmem>>, vector<1x1x512xf32>
    %get3A_150 = vector.shape_cast %get3A_149 : vector<1x1x512xf32> to vector<512xf32>
    %gt3A_151 = arith.constant 0.000000e+00 : f32
    %gt3A_152 = vector.broadcast %gt3A_151 : f32 to vector<512xf32>
    %gt3A_153 = arith.cmpf ogt, %get3A_150, %gt3A_152 : vector<512xf32>
    %jit3A_154 = arith.constant 0.000000e+00 : f32
    %jit3A_155 = arith.constant -1.000000e+30 : f32
    %broadcast_in_dim3A_156 = vector.broadcast %jit3A_154 : f32 to vector<512xf32>
    %broadcast_in_dim3A_157 = vector.broadcast %jit3A_155 : f32 to vector<512xf32>
    %select_n3A_158 = arith.select %gt3A_153, %broadcast_in_dim3A_156, %broadcast_in_dim3A_157 : vector<512xi1>, vector<512xf32>
    %reshape3A_159 = vector.shape_cast %select_n3A_158 : vector<512xf32> to vector<1x512xf32>
    %dot_general3A_160 = arith.constant dense<0.000000e+00> : vector<1024x512xf32>
    %dot_general3A_161 = tpu.matmul %get3A_14, %get3A_145, %dot_general3A_160 {dimension_numbers = #tpu.dot_dimension_numbers<[1], [1], [0], [0], [0, 0, 1, 0], [], []>, transpose_lhs_hint = false} : vector<1024x48xf32>, vector<512x48xf32>, vector<1024x512xf32> -> vector<1024x512xf32>
    %add3A_162 = vector.broadcast %reshape3A_159 : vector<1x512xf32> to vector<1024x512xf32>
    %add3A_163 = arith.addf %dot_general3A_161, %add3A_162 : vector<1024x512xf32>
    %reduce_max3A_164 = arith.constant dense<0xFF800000> : vector<1024xf32>
    %reduce_max3A_165 = vector.multi_reduction <maximumf>, %add3A_163, %reduce_max3A_164 [1] : vector<1024x512xf32> to vector<1024xf32>
    %max3A_166 = arith.maximumf %max3A_140, %reduce_max3A_165 : vector<1024xf32>
    %get3A_167 = arith.constant 0 : index
    %get3A_168 = arith.constant 3072 : index
    %get3A_169 = arith.constant 0 : index
    %get3A_170 = vector.load %arg1[%get3A_167, %get3A_168, %get3A_169] : memref<1x4096x48xf32, #tpu.memory_space<vmem>>, vector<1x512x48xf32>
    %get3A_171 = vector.shape_cast %get3A_170 : vector<1x512x48xf32> to vector<512x48xf32>
    %get3A_172 = arith.constant 0 : index
    %get3A_173 = arith.constant 0 : index
    %get3A_174 = arith.constant 3072 : index
    %get3A_175 = vector.load %arg2[%get3A_172, %get3A_173, %get3A_174] : memref<1x1x4096xf32, #tpu.memory_space<vmem>>, vector<1x1x512xf32>
    %get3A_176 = vector.shape_cast %get3A_175 : vector<1x1x512xf32> to vector<512xf32>
    %gt3A_177 = arith.constant 0.000000e+00 : f32
    %gt3A_178 = vector.broadcast %gt3A_177 : f32 to vector<512xf32>
    %gt3A_179 = arith.cmpf ogt, %get3A_176, %gt3A_178 : vector<512xf32>
    %jit3A_180 = arith.constant 0.000000e+00 : f32
    %jit3A_181 = arith.constant -1.000000e+30 : f32
    %broadcast_in_dim3A_182 = vector.broadcast %jit3A_180 : f32 to vector<512xf32>
    %broadcast_in_dim3A_183 = vector.broadcast %jit3A_181 : f32 to vector<512xf32>
    %select_n3A_184 = arith.select %gt3A_179, %broadcast_in_dim3A_182, %broadcast_in_dim3A_183 : vector<512xi1>, vector<512xf32>
    %reshape3A_185 = vector.shape_cast %select_n3A_184 : vector<512xf32> to vector<1x512xf32>
    %dot_general3A_186 = arith.constant dense<0.000000e+00> : vector<1024x512xf32>
    %dot_general3A_187 = tpu.matmul %get3A_14, %get3A_171, %dot_general3A_186 {dimension_numbers = #tpu.dot_dimension_numbers<[1], [1], [0], [0], [0, 0, 1, 0], [], []>, transpose_lhs_hint = false} : vector<1024x48xf32>, vector<512x48xf32>, vector<1024x512xf32> -> vector<1024x512xf32>
    %add3A_188 = vector.broadcast %reshape3A_185 : vector<1x512xf32> to vector<1024x512xf32>
    %add3A_189 = arith.addf %dot_general3A_187, %add3A_188 : vector<1024x512xf32>
    %reduce_max3A_190 = arith.constant dense<0xFF800000> : vector<1024xf32>
    %reduce_max3A_191 = vector.multi_reduction <maximumf>, %add3A_189, %reduce_max3A_190 [1] : vector<1024x512xf32> to vector<1024xf32>
    %max3A_192 = arith.maximumf %max3A_166, %reduce_max3A_191 : vector<1024xf32>
    %get3A_193 = arith.constant 0 : index
    %get3A_194 = arith.constant 3584 : index
    %get3A_195 = arith.constant 0 : index
    %get3A_196 = vector.load %arg1[%get3A_193, %get3A_194, %get3A_195] : memref<1x4096x48xf32, #tpu.memory_space<vmem>>, vector<1x512x48xf32>
    %get3A_197 = vector.shape_cast %get3A_196 : vector<1x512x48xf32> to vector<512x48xf32>
    %get3A_198 = arith.constant 0 : index
    %get3A_199 = arith.constant 0 : index
    %get3A_200 = arith.constant 3584 : index
    %get3A_201 = vector.load %arg2[%get3A_198, %get3A_199, %get3A_200] : memref<1x1x4096xf32, #tpu.memory_space<vmem>>, vector<1x1x512xf32>
    %get3A_202 = vector.shape_cast %get3A_201 : vector<1x1x512xf32> to vector<512xf32>
    %gt3A_203 = arith.constant 0.000000e+00 : f32
    %gt3A_204 = vector.broadcast %gt3A_203 : f32 to vector<512xf32>
    %gt3A_205 = arith.cmpf ogt, %get3A_202, %gt3A_204 : vector<512xf32>
    %jit3A_206 = arith.constant 0.000000e+00 : f32
    %jit3A_207 = arith.constant -1.000000e+30 : f32
    %broadcast_in_dim3A_208 = vector.broadcast %jit3A_206 : f32 to vector<512xf32>
    %broadcast_in_dim3A_209 = vector.broadcast %jit3A_207 : f32 to vector<512xf32>
    %select_n3A_210 = arith.select %gt3A_205, %broadcast_in_dim3A_208, %broadcast_in_dim3A_209 : vector<512xi1>, vector<512xf32>
    %reshape3A_211 = vector.shape_cast %select_n3A_210 : vector<512xf32> to vector<1x512xf32>
    %dot_general3A_212 = arith.constant dense<0.000000e+00> : vector<1024x512xf32>
    %dot_general3A_213 = tpu.matmul %get3A_14, %get3A_197, %dot_general3A_212 {dimension_numbers = #tpu.dot_dimension_numbers<[1], [1], [0], [0], [0, 0, 1, 0], [], []>, transpose_lhs_hint = false} : vector<1024x48xf32>, vector<512x48xf32>, vector<1024x512xf32> -> vector<1024x512xf32>
    %add3A_214 = vector.broadcast %reshape3A_211 : vector<1x512xf32> to vector<1024x512xf32>
    %add3A_215 = arith.addf %dot_general3A_213, %add3A_214 : vector<1024x512xf32>
    %reduce_max3A_216 = arith.constant dense<0xFF800000> : vector<1024xf32>
    %reduce_max3A_217 = vector.multi_reduction <maximumf>, %add3A_215, %reduce_max3A_216 [1] : vector<1024x512xf32> to vector<1024xf32>
    %max3A_218 = arith.maximumf %max3A_192, %reduce_max3A_217 : vector<1024xf32>
    %reshape3A_219 = vector.shape_cast %dot_general3A_16 : vector<1024x1xf32> to vector<1024xf32>
    %mul3A = arith.constant 2.44140625E-4 : f32
    %mul3A_220 = vector.broadcast %mul3A : f32 to vector<1024xf32>
    %mul3A_221 = arith.mulf %reshape3A_219, %mul3A_220 : vector<1024xf32>
    %sub3A = arith.subf %max3A_218, %mul3A_221 : vector<1024xf32>
    %swap3A = arith.constant 0 : index
    %swap3A_222 = arith.constant 0 : index
    %swap3A_223 = arith.constant 0 : index
    %swap3A_224 = vector.load %arg3[%swap3A, %swap3A_222, %swap3A_223] : memref<1x1x4096xf32, #tpu.memory_space<vmem>>, vector<1x1x1024xf32>
    %swap3A_225 = vector.shape_cast %swap3A_224 : vector<1x1x1024xf32> to vector<1024xf32>
    %swap3A_226 = vector.shape_cast %sub3A : vector<1024xf32> to vector<1x1x1024xf32>
    tpu.vector_store %arg3[%swap3A, %swap3A_222, %swap3A_223], %swap3A_226 {strides = array<i32>} : memref<1x1x4096xf32, #tpu.memory_space<vmem>>, vector<1x1x1024xf32>,
    %get3A_227 = arith.constant 0 : index
    %get3A_228 = arith.constant 1024 : index
    %get3A_229 = arith.constant 0 : index
    %get3A_230 = vector.load %arg1[%get3A_227, %get3A_228, %get3A_229] : memref<1x4096x48xf32, #tpu.memory_space<vmem>>, vector<1x1024x48xf32>
    %get3A_231 = vector.shape_cast %get3A_230 : vector<1x1024x48xf32> to vector<1024x48xf32>
    %dot_general3A_232 = arith.constant dense<0.000000e+00> : vector<1024x1xf32>
    %dot_general3A_233 = tpu.matmul %get3A_231, %dot_general3A_9, %dot_general3A_232 {dimension_numbers = #tpu.dot_dimension_numbers<[1], [1], [0], [0], [0, 0, 1, 0], [], []>, transpose_lhs_hint = false} : vector<1024x48xf32>, vector<1x48xf32>, vector<1024x1xf32> -> vector<1024x1xf32>
    %broadcast_in_dim3A_234 = arith.constant 0xFF800000 : f32
    %broadcast_in_dim3A_235 = vector.broadcast %broadcast_in_dim3A_234 : f32 to vector<1024xf32>
    %get3A_236 = arith.constant 0 : index
    %get3A_237 = arith.constant 0 : index
    %get3A_238 = arith.constant 0 : index
    %get3A_239 = vector.load %arg1[%get3A_236, %get3A_237, %get3A_238] : memref<1x4096x48xf32, #tpu.memory_space<vmem>>, vector<1x512x48xf32>
    %get3A_240 = vector.shape_cast %get3A_239 : vector<1x512x48xf32> to vector<512x48xf32>
    %get3A_241 = arith.constant 0 : index
    %get3A_242 = arith.constant 0 : index
    %get3A_243 = arith.constant 0 : index
    %get3A_244 = vector.load %arg2[%get3A_241, %get3A_242, %get3A_243] : memref<1x1x4096xf32, #tpu.memory_space<vmem>>, vector<1x1x512xf32>
    %get3A_245 = vector.shape_cast %get3A_244 : vector<1x1x512xf32> to vector<512xf32>
    %gt3A_246 = arith.constant 0.000000e+00 : f32
    %gt3A_247 = vector.broadcast %gt3A_246 : f32 to vector<512xf32>
    %gt3A_248 = arith.cmpf ogt, %get3A_245, %gt3A_247 : vector<512xf32>
    %jit3A_249 = arith.constant 0.000000e+00 : f32
    %jit3A_250 = arith.constant -1.000000e+30 : f32
    %broadcast_in_dim3A_251 = vector.broadcast %jit3A_249 : f32 to vector<512xf32>
    %broadcast_in_dim3A_252 = vector.broadcast %jit3A_250 : f32 to vector<512xf32>
    %select_n3A_253 = arith.select %gt3A_248, %broadcast_in_dim3A_251, %broadcast_in_dim3A_252 : vector<512xi1>, vector<512xf32>
    %reshape3A_254 = vector.shape_cast %select_n3A_253 : vector<512xf32> to vector<1x512xf32>
    %dot_general3A_255 = arith.constant dense<0.000000e+00> : vector<1024x512xf32>
    %dot_general3A_256 = tpu.matmul %get3A_231, %get3A_240, %dot_general3A_255 {dimension_numbers = #tpu.dot_dimension_numbers<[1], [1], [0], [0], [0, 0, 1, 0], [], []>, transpose_lhs_hint = false} : vector<1024x48xf32>, vector<512x48xf32>, vector<1024x512xf32> -> vector<1024x512xf32>
    %add3A_257 = vector.broadcast %reshape3A_254 : vector<1x512xf32> to vector<1024x512xf32>
    %add3A_258 = arith.addf %dot_general3A_256, %add3A_257 : vector<1024x512xf32>
    %reduce_max3A_259 = arith.constant dense<0xFF800000> : vector<1024xf32>
    %reduce_max3A_260 = vector.multi_reduction <maximumf>, %add3A_258, %reduce_max3A_259 [1] : vector<1024x512xf32> to vector<1024xf32>
    %max3A_261 = arith.maximumf %broadcast_in_dim3A_235, %reduce_max3A_260 : vector<1024xf32>
    %get3A_262 = arith.constant 0 : index
    %get3A_263 = arith.constant 512 : index
    %get3A_264 = arith.constant 0 : index
    %get3A_265 = vector.load %arg1[%get3A_262, %get3A_263, %get3A_264] : memref<1x4096x48xf32, #tpu.memory_space<vmem>>, vector<1x512x48xf32>
    %get3A_266 = vector.shape_cast %get3A_265 : vector<1x512x48xf32> to vector<512x48xf32>
    %get3A_267 = arith.constant 0 : index
    %get3A_268 = arith.constant 0 : index
    %get3A_269 = arith.constant 512 : index
    %get3A_270 = vector.load %arg2[%get3A_267, %get3A_268, %get3A_269] : memref<1x1x4096xf32, #tpu.memory_space<vmem>>, vector<1x1x512xf32>
    %get3A_271 = vector.shape_cast %get3A_270 : vector<1x1x512xf32> to vector<512xf32>
    %gt3A_272 = arith.constant 0.000000e+00 : f32
    %gt3A_273 = vector.broadcast %gt3A_272 : f32 to vector<512xf32>
    %gt3A_274 = arith.cmpf ogt, %get3A_271, %gt3A_273 : vector<512xf32>
    %jit3A_275 = arith.constant 0.000000e+00 : f32
    %jit3A_276 = arith.constant -1.000000e+30 : f32
    %broadcast_in_dim3A_277 = vector.broadcast %jit3A_275 : f32 to vector<512xf32>
    %broadcast_in_dim3A_278 = vector.broadcast %jit3A_276 : f32 to vector<512xf32>
    %select_n3A_279 = arith.select %gt3A_274, %broadcast_in_dim3A_277, %broadcast_in_dim3A_278 : vector<512xi1>, vector<512xf32>
    %reshape3A_280 = vector.shape_cast %select_n3A_279 : vector<512xf32> to vector<1x512xf32>
    %dot_general3A_281 = arith.constant dense<0.000000e+00> : vector<1024x512xf32>
    %dot_general3A_282 = tpu.matmul %get3A_231, %get3A_266, %dot_general3A_281 {dimension_numbers = #tpu.dot_dimension_numbers<[1], [1], [0], [0], [0, 0, 1, 0], [], []>, transpose_lhs_hint = false} : vector<1024x48xf32>, vector<512x48xf32>, vector<1024x512xf32> -> vector<1024x512xf32>
    %add3A_283 = vector.broadcast %reshape3A_280 : vector<1x512xf32> to vector<1024x512xf32>
    %add3A_284 = arith.addf %dot_general3A_282, %add3A_283 : vector<1024x512xf32>
    %reduce_max3A_285 = arith.constant dense<0xFF800000> : vector<1024xf32>
    %reduce_max3A_286 = vector.multi_reduction <maximumf>, %add3A_284, %reduce_max3A_285 [1] : vector<1024x512xf32> to vector<1024xf32>
    %max3A_287 = arith.maximumf %max3A_261, %reduce_max3A_286 : vector<1024xf32>
    %get3A_288 = arith.constant 0 : index
    %get3A_289 = arith.constant 1024 : index
    %get3A_290 = arith.constant 0 : index
    %get3A_291 = vector.load %arg1[%get3A_288, %get3A_289, %get3A_290] : memref<1x4096x48xf32, #tpu.memory_space<vmem>>, vector<1x512x48xf32>
    %get3A_292 = vector.shape_cast %get3A_291 : vector<1x512x48xf32> to vector<512x48xf32>
    %get3A_293 = arith.constant 0 : index
    %get3A_294 = arith.constant 0 : index
    %get3A_295 = arith.constant 1024 : index
    %get3A_296 = vector.load %arg2[%get3A_293, %get3A_294, %get3A_295] : memref<1x1x4096xf32, #tpu.memory_space<vmem>>, vector<1x1x512xf32>
    %get3A_297 = vector.shape_cast %get3A_296 : vector<1x1x512xf32> to vector<512xf32>
    %gt3A_298 = arith.constant 0.000000e+00 : f32
    %gt3A_299 = vector.broadcast %gt3A_298 : f32 to vector<512xf32>
    %gt3A_300 = arith.cmpf ogt, %get3A_297, %gt3A_299 : vector<512xf32>
    %jit3A_301 = arith.constant 0.000000e+00 : f32
    %jit3A_302 = arith.constant -1.000000e+30 : f32
    %broadcast_in_dim3A_303 = vector.broadcast %jit3A_301 : f32 to vector<512xf32>
    %broadcast_in_dim3A_304 = vector.broadcast %jit3A_302 : f32 to vector<512xf32>
    %select_n3A_305 = arith.select %gt3A_300, %broadcast_in_dim3A_303, %broadcast_in_dim3A_304 : vector<512xi1>, vector<512xf32>
    %reshape3A_306 = vector.shape_cast %select_n3A_305 : vector<512xf32> to vector<1x512xf32>
    %dot_general3A_307 = arith.constant dense<0.000000e+00> : vector<1024x512xf32>
    %dot_general3A_308 = tpu.matmul %get3A_231, %get3A_292, %dot_general3A_307 {dimension_numbers = #tpu.dot_dimension_numbers<[1], [1], [0], [0], [0, 0, 1, 0], [], []>, transpose_lhs_hint = false} : vector<1024x48xf32>, vector<512x48xf32>, vector<1024x512xf32> -> vector<1024x512xf32>
    %add3A_309 = vector.broadcast %reshape3A_306 : vector<1x512xf32> to vector<1024x512xf32>
    %add3A_310 = arith.addf %dot_general3A_308, %add3A_309 : vector<1024x512xf32>
    %reduce_max3A_311 = arith.constant dense<0xFF800000> : vector<1024xf32>
    %reduce_max3A_312 = vector.multi_reduction <maximumf>, %add3A_310, %reduce_max3A_311 [1] : vector<1024x512xf32> to vector<1024xf32>
    %max3A_313 = arith.maximumf %max3A_287, %reduce_max3A_312 : vector<1024xf32>
    %get3A_314 = arith.constant 0 : index
    %get3A_315 = arith.constant 1536 : index
    %get3A_316 = arith.constant 0 : index
    %get3A_317 = vector.load %arg1[%get3A_314, %get3A_315, %get3A_316] : memref<1x4096x48xf32, #tpu.memory_space<vmem>>, vector<1x512x48xf32>
    %get3A_318 = vector.shape_cast %get3A_317 : vector<1x512x48xf32> to vector<512x48xf32>
    %get3A_319 = arith.constant 0 : index
    %get3A_320 = arith.constant 0 : index
    %get3A_321 = arith.constant 1536 : index
    %get3A_322 = vector.load %arg2[%get3A_319, %get3A_320, %get3A_321] : memref<1x1x4096xf32, #tpu.memory_space<vmem>>, vector<1x1x512xf32>
    %get3A_323 = vector.shape_cast %get3A_322 : vector<1x1x512xf32> to vector<512xf32>
    %gt3A_324 = arith.constant 0.000000e+00 : f32
    %gt3A_325 = vector.broadcast %gt3A_324 : f32 to vector<512xf32>
    %gt3A_326 = arith.cmpf ogt, %get3A_323, %gt3A_325 : vector<512xf32>
    %jit3A_327 = arith.constant 0.000000e+00 : f32
    %jit3A_328 = arith.constant -1.000000e+30 : f32
    %broadcast_in_dim3A_329 = vector.broadcast %jit3A_327 : f32 to vector<512xf32>
    %broadcast_in_dim3A_330 = vector.broadcast %jit3A_328 : f32 to vector<512xf32>
    %select_n3A_331 = arith.select %gt3A_326, %broadcast_in_dim3A_329, %broadcast_in_dim3A_330 : vector<512xi1>, vector<512xf32>
    %reshape3A_332 = vector.shape_cast %select_n3A_331 : vector<512xf32> to vector<1x512xf32>
    %dot_general3A_333 = arith.constant dense<0.000000e+00> : vector<1024x512xf32>
    %dot_general3A_334 = tpu.matmul %get3A_231, %get3A_318, %dot_general3A_333 {dimension_numbers = #tpu.dot_dimension_numbers<[1], [1], [0], [0], [0, 0, 1, 0], [], []>, transpose_lhs_hint = false} : vector<1024x48xf32>, vector<512x48xf32>, vector<1024x512xf32> -> vector<1024x512xf32>
    %add3A_335 = vector.broadcast %reshape3A_332 : vector<1x512xf32> to vector<1024x512xf32>
    %add3A_336 = arith.addf %dot_general3A_334, %add3A_335 : vector<1024x512xf32>
    %reduce_max3A_337 = arith.constant dense<0xFF800000> : vector<1024xf32>
    %reduce_max3A_338 = vector.multi_reduction <maximumf>, %add3A_336, %reduce_max3A_337 [1] : vector<1024x512xf32> to vector<1024xf32>
    %max3A_339 = arith.maximumf %max3A_313, %reduce_max3A_338 : vector<1024xf32>
    %get3A_340 = arith.constant 0 : index
    %get3A_341 = arith.constant 2048 : index
    %get3A_342 = arith.constant 0 : index
    %get3A_343 = vector.load %arg1[%get3A_340, %get3A_341, %get3A_342] : memref<1x4096x48xf32, #tpu.memory_space<vmem>>, vector<1x512x48xf32>
    %get3A_344 = vector.shape_cast %get3A_343 : vector<1x512x48xf32> to vector<512x48xf32>
    %get3A_345 = arith.constant 0 : index
    %get3A_346 = arith.constant 0 : index
    %get3A_347 = arith.constant 2048 : index
    %get3A_348 = vector.load %arg2[%get3A_345, %get3A_346, %get3A_347] : memref<1x1x4096xf32, #tpu.memory_space<vmem>>, vector<1x1x512xf32>
    %get3A_349 = vector.shape_cast %get3A_348 : vector<1x1x512xf32> to vector<512xf32>
    %gt3A_350 = arith.constant 0.000000e+00 : f32
    %gt3A_351 = vector.broadcast %gt3A_350 : f32 to vector<512xf32>
    %gt3A_352 = arith.cmpf ogt, %get3A_349, %gt3A_351 : vector<512xf32>
    %jit3A_353 = arith.constant 0.000000e+00 : f32
    %jit3A_354 = arith.constant -1.000000e+30 : f32
    %broadcast_in_dim3A_355 = vector.broadcast %jit3A_353 : f32 to vector<512xf32>
    %broadcast_in_dim3A_356 = vector.broadcast %jit3A_354 : f32 to vector<512xf32>
    %select_n3A_357 = arith.select %gt3A_352, %broadcast_in_dim3A_355, %broadcast_in_dim3A_356 : vector<512xi1>, vector<512xf32>
    %reshape3A_358 = vector.shape_cast %select_n3A_357 : vector<512xf32> to vector<1x512xf32>
    %dot_general3A_359 = arith.constant dense<0.000000e+00> : vector<1024x512xf32>
    %dot_general3A_360 = tpu.matmul %get3A_231, %get3A_344, %dot_general3A_359 {dimension_numbers = #tpu.dot_dimension_numbers<[1], [1], [0], [0], [0, 0, 1, 0], [], []>, transpose_lhs_hint = false} : vector<1024x48xf32>, vector<512x48xf32>, vector<1024x512xf32> -> vector<1024x512xf32>
    %add3A_361 = vector.broadcast %reshape3A_358 : vector<1x512xf32> to vector<1024x512xf32>
    %add3A_362 = arith.addf %dot_general3A_360, %add3A_361 : vector<1024x512xf32>
    %reduce_max3A_363 = arith.constant dense<0xFF800000> : vector<1024xf32>
    %reduce_max3A_364 = vector.multi_reduction <maximumf>, %add3A_362, %reduce_max3A_363 [1] : vector<1024x512xf32> to vector<1024xf32>
    %max3A_365 = arith.maximumf %max3A_339, %reduce_max3A_364 : vector<1024xf32>
    %get3A_366 = arith.constant 0 : index
    %get3A_367 = arith.constant 2560 : index
    %get3A_368 = arith.constant 0 : index
    %get3A_369 = vector.load %arg1[%get3A_366, %get3A_367, %get3A_368] : memref<1x4096x48xf32, #tpu.memory_space<vmem>>, vector<1x512x48xf32>
    %get3A_370 = vector.shape_cast %get3A_369 : vector<1x512x48xf32> to vector<512x48xf32>
    %get3A_371 = arith.constant 0 : index
    %get3A_372 = arith.constant 0 : index
    %get3A_373 = arith.constant 2560 : index
    %get3A_374 = vector.load %arg2[%get3A_371, %get3A_372, %get3A_373] : memref<1x1x4096xf32, #tpu.memory_space<vmem>>, vector<1x1x512xf32>
    %get3A_375 = vector.shape_cast %get3A_374 : vector<1x1x512xf32> to vector<512xf32>
    %gt3A_376 = arith.constant 0.000000e+00 : f32
    %gt3A_377 = vector.broadcast %gt3A_376 : f32 to vector<512xf32>
    %gt3A_378 = arith.cmpf ogt, %get3A_375, %gt3A_377 : vector<512xf32>
    %jit3A_379 = arith.constant 0.000000e+00 : f32
    %jit3A_380 = arith.constant -1.000000e+30 : f32
    %broadcast_in_dim3A_381 = vector.broadcast %jit3A_379 : f32 to vector<512xf32>
    %broadcast_in_dim3A_382 = vector.broadcast %jit3A_380 : f32 to vector<512xf32>
    %select_n3A_383 = arith.select %gt3A_378, %broadcast_in_dim3A_381, %broadcast_in_dim3A_382 : vector<512xi1>, vector<512xf32>
    %reshape3A_384 = vector.shape_cast %select_n3A_383 : vector<512xf32> to vector<1x512xf32>
    %dot_general3A_385 = arith.constant dense<0.000000e+00> : vector<1024x512xf32>
    %dot_general3A_386 = tpu.matmul %get3A_231, %get3A_370, %dot_general3A_385 {dimension_numbers = #tpu.dot_dimension_numbers<[1], [1], [0], [0], [0, 0, 1, 0], [], []>, transpose_lhs_hint = false} : vector<1024x48xf32>, vector<512x48xf32>, vector<1024x512xf32> -> vector<1024x512xf32>
    %add3A_387 = vector.broadcast %reshape3A_384 : vector<1x512xf32> to vector<1024x512xf32>
    %add3A_388 = arith.addf %dot_general3A_386, %add3A_387 : vector<1024x512xf32>
    %reduce_max3A_389 = arith.constant dense<0xFF800000> : vector<1024xf32>
    %reduce_max3A_390 = vector.multi_reduction <maximumf>, %add3A_388, %reduce_max3A_389 [1] : vector<1024x512xf32> to vector<1024xf32>
    %max3A_391 = arith.maximumf %max3A_365, %reduce_max3A_390 : vector<1024xf32>
    %get3A_392 = arith.constant 0 : index
    %get3A_393 = arith.constant 3072 : index
    %get3A_394 = arith.constant 0 : index
    %get3A_395 = vector.load %arg1[%get3A_392, %get3A_393, %get3A_394] : memref<1x4096x48xf32, #tpu.memory_space<vmem>>, vector<1x512x48xf32>
    %get3A_396 = vector.shape_cast %get3A_395 : vector<1x512x48xf32> to vector<512x48xf32>
    %get3A_397 = arith.constant 0 : index
    %get3A_398 = arith.constant 0 : index
    %get3A_399 = arith.constant 3072 : index
    %get3A_400 = vector.load %arg2[%get3A_397, %get3A_398, %get3A_399] : memref<1x1x4096xf32, #tpu.memory_space<vmem>>, vector<1x1x512xf32>
    %get3A_401 = vector.shape_cast %get3A_400 : vector<1x1x512xf32> to vector<512xf32>
    %gt3A_402 = arith.constant 0.000000e+00 : f32
    %gt3A_403 = vector.broadcast %gt3A_402 : f32 to vector<512xf32>
    %gt3A_404 = arith.cmpf ogt, %get3A_401, %gt3A_403 : vector<512xf32>
    %jit3A_405 = arith.constant 0.000000e+00 : f32
    %jit3A_406 = arith.constant -1.000000e+30 : f32
    %broadcast_in_dim3A_407 = vector.broadcast %jit3A_405 : f32 to vector<512xf32>
    %broadcast_in_dim3A_408 = vector.broadcast %jit3A_406 : f32 to vector<512xf32>
    %select_n3A_409 = arith.select %gt3A_404, %broadcast_in_dim3A_407, %broadcast_in_dim3A_408 : vector<512xi1>, vector<512xf32>
    %reshape3A_410 = vector.shape_cast %select_n3A_409 : vector<512xf32> to vector<1x512xf32>
    %dot_general3A_411 = arith.constant dense<0.000000e+00> : vector<1024x512xf32>
    %dot_general3A_412 = tpu.matmul %get3A_231, %get3A_396, %dot_general3A_411 {dimension_numbers = #tpu.dot_dimension_numbers<[1], [1], [0], [0], [0, 0, 1, 0], [], []>, transpose_lhs_hint = false} : vector<1024x48xf32>, vector<512x48xf32>, vector<1024x512xf32> -> vector<1024x512xf32>
    %add3A_413 = vector.broadcast %reshape3A_410 : vector<1x512xf32> to vector<1024x512xf32>
    %add3A_414 = arith.addf %dot_general3A_412, %add3A_413 : vector<1024x512xf32>
    %reduce_max3A_415 = arith.constant dense<0xFF800000> : vector<1024xf32>
    %reduce_max3A_416 = vector.multi_reduction <maximumf>, %add3A_414, %reduce_max3A_415 [1] : vector<1024x512xf32> to vector<1024xf32>
    %max3A_417 = arith.maximumf %max3A_391, %reduce_max3A_416 : vector<1024xf32>
    %get3A_418 = arith.constant 0 : index
    %get3A_419 = arith.constant 3584 : index
    %get3A_420 = arith.constant 0 : index
    %get3A_421 = vector.load %arg1[%get3A_418, %get3A_419, %get3A_420] : memref<1x4096x48xf32, #tpu.memory_space<vmem>>, vector<1x512x48xf32>
    %get3A_422 = vector.shape_cast %get3A_421 : vector<1x512x48xf32> to vector<512x48xf32>
    %get3A_423 = arith.constant 0 : index
    %get3A_424 = arith.constant 0 : index
    %get3A_425 = arith.constant 3584 : index
    %get3A_426 = vector.load %arg2[%get3A_423, %get3A_424, %get3A_425] : memref<1x1x4096xf32, #tpu.memory_space<vmem>>, vector<1x1x512xf32>
    %get3A_427 = vector.shape_cast %get3A_426 : vector<1x1x512xf32> to vector<512xf32>
    %gt3A_428 = arith.constant 0.000000e+00 : f32
    %gt3A_429 = vector.broadcast %gt3A_428 : f32 to vector<512xf32>
    %gt3A_430 = arith.cmpf ogt, %get3A_427, %gt3A_429 : vector<512xf32>
    %jit3A_431 = arith.constant 0.000000e+00 : f32
    %jit3A_432 = arith.constant -1.000000e+30 : f32
    %broadcast_in_dim3A_433 = vector.broadcast %jit3A_431 : f32 to vector<512xf32>
    %broadcast_in_dim3A_434 = vector.broadcast %jit3A_432 : f32 to vector<512xf32>
    %select_n3A_435 = arith.select %gt3A_430, %broadcast_in_dim3A_433, %broadcast_in_dim3A_434 : vector<512xi1>, vector<512xf32>
    %reshape3A_436 = vector.shape_cast %select_n3A_435 : vector<512xf32> to vector<1x512xf32>
    %dot_general3A_437 = arith.constant dense<0.000000e+00> : vector<1024x512xf32>
    %dot_general3A_438 = tpu.matmul %get3A_231, %get3A_422, %dot_general3A_437 {dimension_numbers = #tpu.dot_dimension_numbers<[1], [1], [0], [0], [0, 0, 1, 0], [], []>, transpose_lhs_hint = false} : vector<1024x48xf32>, vector<512x48xf32>, vector<1024x512xf32> -> vector<1024x512xf32>
    %add3A_439 = vector.broadcast %reshape3A_436 : vector<1x512xf32> to vector<1024x512xf32>
    %add3A_440 = arith.addf %dot_general3A_438, %add3A_439 : vector<1024x512xf32>
    %reduce_max3A_441 = arith.constant dense<0xFF800000> : vector<1024xf32>
    %reduce_max3A_442 = vector.multi_reduction <maximumf>, %add3A_440, %reduce_max3A_441 [1] : vector<1024x512xf32> to vector<1024xf32>
    %max3A_443 = arith.maximumf %max3A_417, %reduce_max3A_442 : vector<1024xf32>
    %reshape3A_444 = vector.shape_cast %dot_general3A_233 : vector<1024x1xf32> to vector<1024xf32>
    %mul3A_445 = arith.constant 2.44140625E-4 : f32
    %mul3A_446 = vector.broadcast %mul3A_445 : f32 to vector<1024xf32>
    %mul3A_447 = arith.mulf %reshape3A_444, %mul3A_446 : vector<1024xf32>
    %sub3A_448 = arith.subf %max3A_443, %mul3A_447 : vector<1024xf32>
    %swap3A_449 = arith.constant 0 : index
    %swap3A_450 = arith.constant 0 : index
    %swap3A_451 = arith.constant 1024 : index
    %swap3A_452 = vector.load %arg3[%swap3A_449, %swap3A_450, %swap3A_451] : memref<1x1x4096xf32, #tpu.memory_space<vmem>>, vector<1x1x1024xf32>
    %swap3A_453 = vector.shape_cast %swap3A_452 : vector<1x1x1024xf32> to vector<1024xf32>
    %swap3A_454 = vector.shape_cast %sub3A_448 : vector<1024xf32> to vector<1x1x1024xf32>
    tpu.vector_store %arg3[%swap3A_449, %swap3A_450, %swap3A_451], %swap3A_454 {strides = array<i32>} : memref<1x1x4096xf32, #tpu.memory_space<vmem>>, vector<1x1x1024xf32>,
    %get3A_455 = arith.constant 0 : index
    %get3A_456 = arith.constant 2048 : index
    %get3A_457 = arith.constant 0 : index
    %get3A_458 = vector.load %arg1[%get3A_455, %get3A_456, %get3A_457] : memref<1x4096x48xf32, #tpu.memory_space<vmem>>, vector<1x1024x48xf32>
    %get3A_459 = vector.shape_cast %get3A_458 : vector<1x1024x48xf32> to vector<1024x48xf32>
    %dot_general3A_460 = arith.constant dense<0.000000e+00> : vector<1024x1xf32>
    %dot_general3A_461 = tpu.matmul %get3A_459, %dot_general3A_9, %dot_general3A_460 {dimension_numbers = #tpu.dot_dimension_numbers<[1], [1], [0], [0], [0, 0, 1, 0], [], []>, transpose_lhs_hint = false} : vector<1024x48xf32>, vector<1x48xf32>, vector<1024x1xf32> -> vector<1024x1xf32>
    %broadcast_in_dim3A_462 = arith.constant 0xFF800000 : f32
    %broadcast_in_dim3A_463 = vector.broadcast %broadcast_in_dim3A_462 : f32 to vector<1024xf32>
    %get3A_464 = arith.constant 0 : index
    %get3A_465 = arith.constant 0 : index
    %get3A_466 = arith.constant 0 : index
    %get3A_467 = vector.load %arg1[%get3A_464, %get3A_465, %get3A_466] : memref<1x4096x48xf32, #tpu.memory_space<vmem>>, vector<1x512x48xf32>
    %get3A_468 = vector.shape_cast %get3A_467 : vector<1x512x48xf32> to vector<512x48xf32>
    %get3A_469 = arith.constant 0 : index
    %get3A_470 = arith.constant 0 : index
    %get3A_471 = arith.constant 0 : index
    %get3A_472 = vector.load %arg2[%get3A_469, %get3A_470, %get3A_471] : memref<1x1x4096xf32, #tpu.memory_space<vmem>>, vector<1x1x512xf32>
    %get3A_473 = vector.shape_cast %get3A_472 : vector<1x1x512xf32> to vector<512xf32>
    %gt3A_474 = arith.constant 0.000000e+00 : f32
    %gt3A_475 = vector.broadcast %gt3A_474 : f32 to vector<512xf32>
    %gt3A_476 = arith.cmpf ogt, %get3A_473, %gt3A_475 : vector<512xf32>
    %jit3A_477 = arith.constant 0.000000e+00 : f32
    %jit3A_478 = arith.constant -1.000000e+30 : f32
    %broadcast_in_dim3A_479 = vector.broadcast %jit3A_477 : f32 to vector<512xf32>
    %broadcast_in_dim3A_480 = vector.broadcast %jit3A_478 : f32 to vector<512xf32>
    %select_n3A_481 = arith.select %gt3A_476, %broadcast_in_dim3A_479, %broadcast_in_dim3A_480 : vector<512xi1>, vector<512xf32>
    %reshape3A_482 = vector.shape_cast %select_n3A_481 : vector<512xf32> to vector<1x512xf32>
    %dot_general3A_483 = arith.constant dense<0.000000e+00> : vector<1024x512xf32>
    %dot_general3A_484 = tpu.matmul %get3A_459, %get3A_468, %dot_general3A_483 {dimension_numbers = #tpu.dot_dimension_numbers<[1], [1], [0], [0], [0, 0, 1, 0], [], []>, transpose_lhs_hint = false} : vector<1024x48xf32>, vector<512x48xf32>, vector<1024x512xf32> -> vector<1024x512xf32>
    %add3A_485 = vector.broadcast %reshape3A_482 : vector<1x512xf32> to vector<1024x512xf32>
    %add3A_486 = arith.addf %dot_general3A_484, %add3A_485 : vector<1024x512xf32>
    %reduce_max3A_487 = arith.constant dense<0xFF800000> : vector<1024xf32>
    %reduce_max3A_488 = vector.multi_reduction <maximumf>, %add3A_486, %reduce_max3A_487 [1] : vector<1024x512xf32> to vector<1024xf32>
    %max3A_489 = arith.maximumf %broadcast_in_dim3A_463, %reduce_max3A_488 : vector<1024xf32>
    %get3A_490 = arith.constant 0 : index
    %get3A_491 = arith.constant 512 : index
    %get3A_492 = arith.constant 0 : index
    %get3A_493 = vector.load %arg1[%get3A_490, %get3A_491, %get3A_492] : memref<1x4096x48xf32, #tpu.memory_space<vmem>>, vector<1x512x48xf32>
    %get3A_494 = vector.shape_cast %get3A_493 : vector<1x512x48xf32> to vector<512x48xf32>
    %get3A_495 = arith.constant 0 : index
    %get3A_496 = arith.constant 0 : index
    %get3A_497 = arith.constant 512 : index
    %get3A_498 = vector.load %arg2[%get3A_495, %get3A_496, %get3A_497] : memref<1x1x4096xf32, #tpu.memory_space<vmem>>, vector<1x1x512xf32>
    %get3A_499 = vector.shape_cast %get3A_498 : vector<1x1x512xf32> to vector<512xf32>
    %gt3A_500 = arith.constant 0.000000e+00 : f32
    %gt3A_501 = vector.broadcast %gt3A_500 : f32 to vector<512xf32>
    %gt3A_502 = arith.cmpf ogt, %get3A_499, %gt3A_501 : vector<512xf32>
    %jit3A_503 = arith.constant 0.000000e+00 : f32
    %jit3A_504 = arith.constant -1.000000e+30 : f32
    %broadcast_in_dim3A_505 = vector.broadcast %jit3A_503 : f32 to vector<512xf32>
    %broadcast_in_dim3A_506 = vector.broadcast %jit3A_504 : f32 to vector<512xf32>
    %select_n3A_507 = arith.select %gt3A_502, %broadcast_in_dim3A_505, %broadcast_in_dim3A_506 : vector<512xi1>, vector<512xf32>
    %reshape3A_508 = vector.shape_cast %select_n3A_507 : vector<512xf32> to vector<1x512xf32>
    %dot_general3A_509 = arith.constant dense<0.000000e+00> : vector<1024x512xf32>
    %dot_general3A_510 = tpu.matmul %get3A_459, %get3A_494, %dot_general3A_509 {dimension_numbers = #tpu.dot_dimension_numbers<[1], [1], [0], [0], [0, 0, 1, 0], [], []>, transpose_lhs_hint = false} : vector<1024x48xf32>, vector<512x48xf32>, vector<1024x512xf32> -> vector<1024x512xf32>
    %add3A_511 = vector.broadcast %reshape3A_508 : vector<1x512xf32> to vector<1024x512xf32>
    %add3A_512 = arith.addf %dot_general3A_510, %add3A_511 : vector<1024x512xf32>
    %reduce_max3A_513 = arith.constant dense<0xFF800000> : vector<1024xf32>
    %reduce_max3A_514 = vector.multi_reduction <maximumf>, %add3A_512, %reduce_max3A_513 [1] : vector<1024x512xf32> to vector<1024xf32>
    %max3A_515 = arith.maximumf %max3A_489, %reduce_max3A_514 : vector<1024xf32>
    %get3A_516 = arith.constant 0 : index
    %get3A_517 = arith.constant 1024 : index
    %get3A_518 = arith.constant 0 : index
    %get3A_519 = vector.load %arg1[%get3A_516, %get3A_517, %get3A_518] : memref<1x4096x48xf32, #tpu.memory_space<vmem>>, vector<1x512x48xf32>
    %get3A_520 = vector.shape_cast %get3A_519 : vector<1x512x48xf32> to vector<512x48xf32>
    %get3A_521 = arith.constant 0 : index
    %get3A_522 = arith.constant 0 : index
    %get3A_523 = arith.constant 1024 : index
    %get3A_524 = vector.load %arg2[%get3A_521, %get3A_522, %get3A_523] : memref<1x1x4096xf32, #tpu.memory_space<vmem>>, vector<1x1x512xf32>
    %get3A_525 = vector.shape_cast %get3A_524 : vector<1x1x512xf32> to vector<512xf32>
    %gt3A_526 = arith.constant 0.000000e+00 : f32
    %gt3A_527 = vector.broadcast %gt3A_526 : f32 to vector<512xf32>
    %gt3A_528 = arith.cmpf ogt, %get3A_525, %gt3A_527 : vector<512xf32>
    %jit3A_529 = arith.constant 0.000000e+00 : f32
    %jit3A_530 = arith.constant -1.000000e+30 : f32
    %broadcast_in_dim3A_531 = vector.broadcast %jit3A_529 : f32 to vector<512xf32>
    %broadcast_in_dim3A_532 = vector.broadcast %jit3A_530 : f32 to vector<512xf32>
    %select_n3A_533 = arith.select %gt3A_528, %broadcast_in_dim3A_531, %broadcast_in_dim3A_532 : vector<512xi1>, vector<512xf32>
    %reshape3A_534 = vector.shape_cast %select_n3A_533 : vector<512xf32> to vector<1x512xf32>
    %dot_general3A_535 = arith.constant dense<0.000000e+00> : vector<1024x512xf32>
    %dot_general3A_536 = tpu.matmul %get3A_459, %get3A_520, %dot_general3A_535 {dimension_numbers = #tpu.dot_dimension_numbers<[1], [1], [0], [0], [0, 0, 1, 0], [], []>, transpose_lhs_hint = false} : vector<1024x48xf32>, vector<512x48xf32>, vector<1024x512xf32> -> vector<1024x512xf32>
    %add3A_537 = vector.broadcast %reshape3A_534 : vector<1x512xf32> to vector<1024x512xf32>
    %add3A_538 = arith.addf %dot_general3A_536, %add3A_537 : vector<1024x512xf32>
    %reduce_max3A_539 = arith.constant dense<0xFF800000> : vector<1024xf32>
    %reduce_max3A_540 = vector.multi_reduction <maximumf>, %add3A_538, %reduce_max3A_539 [1] : vector<1024x512xf32> to vector<1024xf32>
    %max3A_541 = arith.maximumf %max3A_515, %reduce_max3A_540 : vector<1024xf32>
    %get3A_542 = arith.constant 0 : index
    %get3A_543 = arith.constant 1536 : index
    %get3A_544 = arith.constant 0 : index
    %get3A_545 = vector.load %arg1[%get3A_542, %get3A_543, %get3A_544] : memref<1x4096x48xf32, #tpu.memory_space<vmem>>, vector<1x512x48xf32>
    %get3A_546 = vector.shape_cast %get3A_545 : vector<1x512x48xf32> to vector<512x48xf32>
    %get3A_547 = arith.constant 0 : index
    %get3A_548 = arith.constant 0 : index
    %get3A_549 = arith.constant 1536 : index
    %get3A_550 = vector.load %arg2[%get3A_547, %get3A_548, %get3A_549] : memref<1x1x4096xf32, #tpu.memory_space<vmem>>, vector<1x1x512xf32>
    %get3A_551 = vector.shape_cast %get3A_550 : vector<1x1x512xf32> to vector<512xf32>
    %gt3A_552 = arith.constant 0.000000e+00 : f32
    %gt3A_553 = vector.broadcast %gt3A_552 : f32 to vector<512xf32>
    %gt3A_554 = arith.cmpf ogt, %get3A_551, %gt3A_553 : vector<512xf32>
    %jit3A_555 = arith.constant 0.000000e+00 : f32
    %jit3A_556 = arith.constant -1.000000e+30 : f32
    %broadcast_in_dim3A_557 = vector.broadcast %jit3A_555 : f32 to vector<512xf32>
    %broadcast_in_dim3A_558 = vector.broadcast %jit3A_556 : f32 to vector<512xf32>
    %select_n3A_559 = arith.select %gt3A_554, %broadcast_in_dim3A_557, %broadcast_in_dim3A_558 : vector<512xi1>, vector<512xf32>
    %reshape3A_560 = vector.shape_cast %select_n3A_559 : vector<512xf32> to vector<1x512xf32>
    %dot_general3A_561 = arith.constant dense<0.000000e+00> : vector<1024x512xf32>
    %dot_general3A_562 = tpu.matmul %get3A_459, %get3A_546, %dot_general3A_561 {dimension_numbers = #tpu.dot_dimension_numbers<[1], [1], [0], [0], [0, 0, 1, 0], [], []>, transpose_lhs_hint = false} : vector<1024x48xf32>, vector<512x48xf32>, vector<1024x512xf32> -> vector<1024x512xf32>
    %add3A_563 = vector.broadcast %reshape3A_560 : vector<1x512xf32> to vector<1024x512xf32>
    %add3A_564 = arith.addf %dot_general3A_562, %add3A_563 : vector<1024x512xf32>
    %reduce_max3A_565 = arith.constant dense<0xFF800000> : vector<1024xf32>
    %reduce_max3A_566 = vector.multi_reduction <maximumf>, %add3A_564, %reduce_max3A_565 [1] : vector<1024x512xf32> to vector<1024xf32>
    %max3A_567 = arith.maximumf %max3A_541, %reduce_max3A_566 : vector<1024xf32>
    %get3A_568 = arith.constant 0 : index
    %get3A_569 = arith.constant 2048 : index
    %get3A_570 = arith.constant 0 : index
    %get3A_571 = vector.load %arg1[%get3A_568, %get3A_569, %get3A_570] : memref<1x4096x48xf32, #tpu.memory_space<vmem>>, vector<1x512x48xf32>
    %get3A_572 = vector.shape_cast %get3A_571 : vector<1x512x48xf32> to vector<512x48xf32>
    %get3A_573 = arith.constant 0 : index
    %get3A_574 = arith.constant 0 : index
    %get3A_575 = arith.constant 2048 : index
    %get3A_576 = vector.load %arg2[%get3A_573, %get3A_574, %get3A_575] : memref<1x1x4096xf32, #tpu.memory_space<vmem>>, vector<1x1x512xf32>
    %get3A_577 = vector.shape_cast %get3A_576 : vector<1x1x512xf32> to vector<512xf32>
    %gt3A_578 = arith.constant 0.000000e+00 : f32
    %gt3A_579 = vector.broadcast %gt3A_578 : f32 to vector<512xf32>
    %gt3A_580 = arith.cmpf ogt, %get3A_577, %gt3A_579 : vector<512xf32>
    %jit3A_581 = arith.constant 0.000000e+00 : f32
    %jit3A_582 = arith.constant -1.000000e+30 : f32
    %broadcast_in_dim3A_583 = vector.broadcast %jit3A_581 : f32 to vector<512xf32>
    %broadcast_in_dim3A_584 = vector.broadcast %jit3A_582 : f32 to vector<512xf32>
    %select_n3A_585 = arith.select %gt3A_580, %broadcast_in_dim3A_583, %broadcast_in_dim3A_584 : vector<512xi1>, vector<512xf32>
    %reshape3A_586 = vector.shape_cast %select_n3A_585 : vector<512xf32> to vector<1x512xf32>
    %dot_general3A_587 = arith.constant dense<0.000000e+00> : vector<1024x512xf32>
    %dot_general3A_588 = tpu.matmul %get3A_459, %get3A_572, %dot_general3A_587 {dimension_numbers = #tpu.dot_dimension_numbers<[1], [1], [0], [0], [0, 0, 1, 0], [], []>, transpose_lhs_hint = false} : vector<1024x48xf32>, vector<512x48xf32>, vector<1024x512xf32> -> vector<1024x512xf32>
    %add3A_589 = vector.broadcast %reshape3A_586 : vector<1x512xf32> to vector<1024x512xf32>
    %add3A_590 = arith.addf %dot_general3A_588, %add3A_589 : vector<1024x512xf32>
    %reduce_max3A_591 = arith.constant dense<0xFF800000> : vector<1024xf32>
    %reduce_max3A_592 = vector.multi_reduction <maximumf>, %add3A_590, %reduce_max3A_591 [1] : vector<1024x512xf32> to vector<1024xf32>
    %max3A_593 = arith.maximumf %max3A_567, %reduce_max3A_592 : vector<1024xf32>
    %get3A_594 = arith.constant 0 : index
    %get3A_595 = arith.constant 2560 : index
    %get3A_596 = arith.constant 0 : index
    %get3A_597 = vector.load %arg1[%get3A_594, %get3A_595, %get3A_596] : memref<1x4096x48xf32, #tpu.memory_space<vmem>>, vector<1x512x48xf32>
    %get3A_598 = vector.shape_cast %get3A_597 : vector<1x512x48xf32> to vector<512x48xf32>
    %get3A_599 = arith.constant 0 : index
    %get3A_600 = arith.constant 0 : index
    %get3A_601 = arith.constant 2560 : index
    %get3A_602 = vector.load %arg2[%get3A_599, %get3A_600, %get3A_601] : memref<1x1x4096xf32, #tpu.memory_space<vmem>>, vector<1x1x512xf32>
    %get3A_603 = vector.shape_cast %get3A_602 : vector<1x1x512xf32> to vector<512xf32>
    %gt3A_604 = arith.constant 0.000000e+00 : f32
    %gt3A_605 = vector.broadcast %gt3A_604 : f32 to vector<512xf32>
    %gt3A_606 = arith.cmpf ogt, %get3A_603, %gt3A_605 : vector<512xf32>
    %jit3A_607 = arith.constant 0.000000e+00 : f32
    %jit3A_608 = arith.constant -1.000000e+30 : f32
    %broadcast_in_dim3A_609 = vector.broadcast %jit3A_607 : f32 to vector<512xf32>
    %broadcast_in_dim3A_610 = vector.broadcast %jit3A_608 : f32 to vector<512xf32>
    %select_n3A_611 = arith.select %gt3A_606, %broadcast_in_dim3A_609, %broadcast_in_dim3A_610 : vector<512xi1>, vector<512xf32>
    %reshape3A_612 = vector.shape_cast %select_n3A_611 : vector<512xf32> to vector<1x512xf32>
    %dot_general3A_613 = arith.constant dense<0.000000e+00> : vector<1024x512xf32>
    %dot_general3A_614 = tpu.matmul %get3A_459, %get3A_598, %dot_general3A_613 {dimension_numbers = #tpu.dot_dimension_numbers<[1], [1], [0], [0], [0, 0, 1, 0], [], []>, transpose_lhs_hint = false} : vector<1024x48xf32>, vector<512x48xf32>, vector<1024x512xf32> -> vector<1024x512xf32>
    %add3A_615 = vector.broadcast %reshape3A_612 : vector<1x512xf32> to vector<1024x512xf32>
    %add3A_616 = arith.addf %dot_general3A_614, %add3A_615 : vector<1024x512xf32>
    %reduce_max3A_617 = arith.constant dense<0xFF800000> : vector<1024xf32>
    %reduce_max3A_618 = vector.multi_reduction <maximumf>, %add3A_616, %reduce_max3A_617 [1] : vector<1024x512xf32> to vector<1024xf32>
    %max3A_619 = arith.maximumf %max3A_593, %reduce_max3A_618 : vector<1024xf32>
    %get3A_620 = arith.constant 0 : index
    %get3A_621 = arith.constant 3072 : index
    %get3A_622 = arith.constant 0 : index
    %get3A_623 = vector.load %arg1[%get3A_620, %get3A_621, %get3A_622] : memref<1x4096x48xf32, #tpu.memory_space<vmem>>, vector<1x512x48xf32>
    %get3A_624 = vector.shape_cast %get3A_623 : vector<1x512x48xf32> to vector<512x48xf32>
    %get3A_625 = arith.constant 0 : index
    %get3A_626 = arith.constant 0 : index
    %get3A_627 = arith.constant 3072 : index
    %get3A_628 = vector.load %arg2[%get3A_625, %get3A_626, %get3A_627] : memref<1x1x4096xf32, #tpu.memory_space<vmem>>, vector<1x1x512xf32>
    %get3A_629 = vector.shape_cast %get3A_628 : vector<1x1x512xf32> to vector<512xf32>
    %gt3A_630 = arith.constant 0.000000e+00 : f32
    %gt3A_631 = vector.broadcast %gt3A_630 : f32 to vector<512xf32>
    %gt3A_632 = arith.cmpf ogt, %get3A_629, %gt3A_631 : vector<512xf32>
    %jit3A_633 = arith.constant 0.000000e+00 : f32
    %jit3A_634 = arith.constant -1.000000e+30 : f32
    %broadcast_in_dim3A_635 = vector.broadcast %jit3A_633 : f32 to vector<512xf32>
    %broadcast_in_dim3A_636 = vector.broadcast %jit3A_634 : f32 to vector<512xf32>
    %select_n3A_637 = arith.select %gt3A_632, %broadcast_in_dim3A_635, %broadcast_in_dim3A_636 : vector<512xi1>, vector<512xf32>
    %reshape3A_638 = vector.shape_cast %select_n3A_637 : vector<512xf32> to vector<1x512xf32>
    %dot_general3A_639 = arith.constant dense<0.000000e+00> : vector<1024x512xf32>
    %dot_general3A_640 = tpu.matmul %get3A_459, %get3A_624, %dot_general3A_639 {dimension_numbers = #tpu.dot_dimension_numbers<[1], [1], [0], [0], [0, 0, 1, 0], [], []>, transpose_lhs_hint = false} : vector<1024x48xf32>, vector<512x48xf32>, vector<1024x512xf32> -> vector<1024x512xf32>
    %add3A_641 = vector.broadcast %reshape3A_638 : vector<1x512xf32> to vector<1024x512xf32>
    %add3A_642 = arith.addf %dot_general3A_640, %add3A_641 : vector<1024x512xf32>
    %reduce_max3A_643 = arith.constant dense<0xFF800000> : vector<1024xf32>
    %reduce_max3A_644 = vector.multi_reduction <maximumf>, %add3A_642, %reduce_max3A_643 [1] : vector<1024x512xf32> to vector<1024xf32>
    %max3A_645 = arith.maximumf %max3A_619, %reduce_max3A_644 : vector<1024xf32>
    %get3A_646 = arith.constant 0 : index
    %get3A_647 = arith.constant 3584 : index
    %get3A_648 = arith.constant 0 : index
    %get3A_649 = vector.load %arg1[%get3A_646, %get3A_647, %get3A_648] : memref<1x4096x48xf32, #tpu.memory_space<vmem>>, vector<1x512x48xf32>
    %get3A_650 = vector.shape_cast %get3A_649 : vector<1x512x48xf32> to vector<512x48xf32>
    %get3A_651 = arith.constant 0 : index
    %get3A_652 = arith.constant 0 : index
    %get3A_653 = arith.constant 3584 : index
    %get3A_654 = vector.load %arg2[%get3A_651, %get3A_652, %get3A_653] : memref<1x1x4096xf32, #tpu.memory_space<vmem>>, vector<1x1x512xf32>
    %get3A_655 = vector.shape_cast %get3A_654 : vector<1x1x512xf32> to vector<512xf32>
    %gt3A_656 = arith.constant 0.000000e+00 : f32
    %gt3A_657 = vector.broadcast %gt3A_656 : f32 to vector<512xf32>
    %gt3A_658 = arith.cmpf ogt, %get3A_655, %gt3A_657 : vector<512xf32>
    %jit3A_659 = arith.constant 0.000000e+00 : f32
    %jit3A_660 = arith.constant -1.000000e+30 : f32
    %broadcast_in_dim3A_661 = vector.broadcast %jit3A_659 : f32 to vector<512xf32>
    %broadcast_in_dim3A_662 = vector.broadcast %jit3A_660 : f32 to vector<512xf32>
    %select_n3A_663 = arith.select %gt3A_658, %broadcast_in_dim3A_661, %broadcast_in_dim3A_662 : vector<512xi1>, vector<512xf32>
    %reshape3A_664 = vector.shape_cast %select_n3A_663 : vector<512xf32> to vector<1x512xf32>
    %dot_general3A_665 = arith.constant dense<0.000000e+00> : vector<1024x512xf32>
    %dot_general3A_666 = tpu.matmul %get3A_459, %get3A_650, %dot_general3A_665 {dimension_numbers = #tpu.dot_dimension_numbers<[1], [1], [0], [0], [0, 0, 1, 0], [], []>, transpose_lhs_hint = false} : vector<1024x48xf32>, vector<512x48xf32>, vector<1024x512xf32> -> vector<1024x512xf32>
    %add3A_667 = vector.broadcast %reshape3A_664 : vector<1x512xf32> to vector<1024x512xf32>
    %add3A_668 = arith.addf %dot_general3A_666, %add3A_667 : vector<1024x512xf32>
    %reduce_max3A_669 = arith.constant dense<0xFF800000> : vector<1024xf32>
    %reduce_max3A_670 = vector.multi_reduction <maximumf>, %add3A_668, %reduce_max3A_669 [1] : vector<1024x512xf32> to vector<1024xf32>
    %max3A_671 = arith.maximumf %max3A_645, %reduce_max3A_670 : vector<1024xf32>
    %reshape3A_672 = vector.shape_cast %dot_general3A_461 : vector<1024x1xf32> to vector<1024xf32>
    %mul3A_673 = arith.constant 2.44140625E-4 : f32
    %mul3A_674 = vector.broadcast %mul3A_673 : f32 to vector<1024xf32>
    %mul3A_675 = arith.mulf %reshape3A_672, %mul3A_674 : vector<1024xf32>
    %sub3A_676 = arith.subf %max3A_671, %mul3A_675 : vector<1024xf32>
    %swap3A_677 = arith.constant 0 : index
    %swap3A_678 = arith.constant 0 : index
    %swap3A_679 = arith.constant 2048 : index
    %swap3A_680 = vector.load %arg3[%swap3A_677, %swap3A_678, %swap3A_679] : memref<1x1x4096xf32, #tpu.memory_space<vmem>>, vector<1x1x1024xf32>
    %swap3A_681 = vector.shape_cast %swap3A_680 : vector<1x1x1024xf32> to vector<1024xf32>
    %swap3A_682 = vector.shape_cast %sub3A_676 : vector<1024xf32> to vector<1x1x1024xf32>
    tpu.vector_store %arg3[%swap3A_677, %swap3A_678, %swap3A_679], %swap3A_682 {strides = array<i32>} : memref<1x1x4096xf32, #tpu.memory_space<vmem>>, vector<1x1x1024xf32>,
    %get3A_683 = arith.constant 0 : index
    %get3A_684 = arith.constant 3072 : index
    %get3A_685 = arith.constant 0 : index
    %get3A_686 = vector.load %arg1[%get3A_683, %get3A_684, %get3A_685] : memref<1x4096x48xf32, #tpu.memory_space<vmem>>, vector<1x1024x48xf32>
    %get3A_687 = vector.shape_cast %get3A_686 : vector<1x1024x48xf32> to vector<1024x48xf32>
    %dot_general3A_688 = arith.constant dense<0.000000e+00> : vector<1024x1xf32>
    %dot_general3A_689 = tpu.matmul %get3A_687, %dot_general3A_9, %dot_general3A_688 {dimension_numbers = #tpu.dot_dimension_numbers<[1], [1], [0], [0], [0, 0, 1, 0], [], []>, transpose_lhs_hint = false} : vector<1024x48xf32>, vector<1x48xf32>, vector<1024x1xf32> -> vector<1024x1xf32>
    %broadcast_in_dim3A_690 = arith.constant 0xFF800000 : f32
    %broadcast_in_dim3A_691 = vector.broadcast %broadcast_in_dim3A_690 : f32 to vector<1024xf32>
    %get3A_692 = arith.constant 0 : index
    %get3A_693 = arith.constant 0 : index
    %get3A_694 = arith.constant 0 : index
    %get3A_695 = vector.load %arg1[%get3A_692, %get3A_693, %get3A_694] : memref<1x4096x48xf32, #tpu.memory_space<vmem>>, vector<1x512x48xf32>
    %get3A_696 = vector.shape_cast %get3A_695 : vector<1x512x48xf32> to vector<512x48xf32>
    %get3A_697 = arith.constant 0 : index
    %get3A_698 = arith.constant 0 : index
    %get3A_699 = arith.constant 0 : index
    %get3A_700 = vector.load %arg2[%get3A_697, %get3A_698, %get3A_699] : memref<1x1x4096xf32, #tpu.memory_space<vmem>>, vector<1x1x512xf32>
    %get3A_701 = vector.shape_cast %get3A_700 : vector<1x1x512xf32> to vector<512xf32>
    %gt3A_702 = arith.constant 0.000000e+00 : f32
    %gt3A_703 = vector.broadcast %gt3A_702 : f32 to vector<512xf32>
    %gt3A_704 = arith.cmpf ogt, %get3A_701, %gt3A_703 : vector<512xf32>
    %jit3A_705 = arith.constant 0.000000e+00 : f32
    %jit3A_706 = arith.constant -1.000000e+30 : f32
    %broadcast_in_dim3A_707 = vector.broadcast %jit3A_705 : f32 to vector<512xf32>
    %broadcast_in_dim3A_708 = vector.broadcast %jit3A_706 : f32 to vector<512xf32>
    %select_n3A_709 = arith.select %gt3A_704, %broadcast_in_dim3A_707, %broadcast_in_dim3A_708 : vector<512xi1>, vector<512xf32>
    %reshape3A_710 = vector.shape_cast %select_n3A_709 : vector<512xf32> to vector<1x512xf32>
    %dot_general3A_711 = arith.constant dense<0.000000e+00> : vector<1024x512xf32>
    %dot_general3A_712 = tpu.matmul %get3A_687, %get3A_696, %dot_general3A_711 {dimension_numbers = #tpu.dot_dimension_numbers<[1], [1], [0], [0], [0, 0, 1, 0], [], []>, transpose_lhs_hint = false} : vector<1024x48xf32>, vector<512x48xf32>, vector<1024x512xf32> -> vector<1024x512xf32>
    %add3A_713 = vector.broadcast %reshape3A_710 : vector<1x512xf32> to vector<1024x512xf32>
    %add3A_714 = arith.addf %dot_general3A_712, %add3A_713 : vector<1024x512xf32>
    %reduce_max3A_715 = arith.constant dense<0xFF800000> : vector<1024xf32>
    %reduce_max3A_716 = vector.multi_reduction <maximumf>, %add3A_714, %reduce_max3A_715 [1] : vector<1024x512xf32> to vector<1024xf32>
    %max3A_717 = arith.maximumf %broadcast_in_dim3A_691, %reduce_max3A_716 : vector<1024xf32>
    %get3A_718 = arith.constant 0 : index
    %get3A_719 = arith.constant 512 : index
    %get3A_720 = arith.constant 0 : index
    %get3A_721 = vector.load %arg1[%get3A_718, %get3A_719, %get3A_720] : memref<1x4096x48xf32, #tpu.memory_space<vmem>>, vector<1x512x48xf32>
    %get3A_722 = vector.shape_cast %get3A_721 : vector<1x512x48xf32> to vector<512x48xf32>
    %get3A_723 = arith.constant 0 : index
    %get3A_724 = arith.constant 0 : index
    %get3A_725 = arith.constant 512 : index
    %get3A_726 = vector.load %arg2[%get3A_723, %get3A_724, %get3A_725] : memref<1x1x4096xf32, #tpu.memory_space<vmem>>, vector<1x1x512xf32>
    %get3A_727 = vector.shape_cast %get3A_726 : vector<1x1x512xf32> to vector<512xf32>
    %gt3A_728 = arith.constant 0.000000e+00 : f32
    %gt3A_729 = vector.broadcast %gt3A_728 : f32 to vector<512xf32>
    %gt3A_730 = arith.cmpf ogt, %get3A_727, %gt3A_729 : vector<512xf32>
    %jit3A_731 = arith.constant 0.000000e+00 : f32
    %jit3A_732 = arith.constant -1.000000e+30 : f32
    %broadcast_in_dim3A_733 = vector.broadcast %jit3A_731 : f32 to vector<512xf32>
    %broadcast_in_dim3A_734 = vector.broadcast %jit3A_732 : f32 to vector<512xf32>
    %select_n3A_735 = arith.select %gt3A_730, %broadcast_in_dim3A_733, %broadcast_in_dim3A_734 : vector<512xi1>, vector<512xf32>
    %reshape3A_736 = vector.shape_cast %select_n3A_735 : vector<512xf32> to vector<1x512xf32>
    %dot_general3A_737 = arith.constant dense<0.000000e+00> : vector<1024x512xf32>
    %dot_general3A_738 = tpu.matmul %get3A_687, %get3A_722, %dot_general3A_737 {dimension_numbers = #tpu.dot_dimension_numbers<[1], [1], [0], [0], [0, 0, 1, 0], [], []>, transpose_lhs_hint = false} : vector<1024x48xf32>, vector<512x48xf32>, vector<1024x512xf32> -> vector<1024x512xf32>
    %add3A_739 = vector.broadcast %reshape3A_736 : vector<1x512xf32> to vector<1024x512xf32>
    %add3A_740 = arith.addf %dot_general3A_738, %add3A_739 : vector<1024x512xf32>
    %reduce_max3A_741 = arith.constant dense<0xFF800000> : vector<1024xf32>
    %reduce_max3A_742 = vector.multi_reduction <maximumf>, %add3A_740, %reduce_max3A_741 [1] : vector<1024x512xf32> to vector<1024xf32>
    %max3A_743 = arith.maximumf %max3A_717, %reduce_max3A_742 : vector<1024xf32>
    %get3A_744 = arith.constant 0 : index
    %get3A_745 = arith.constant 1024 : index
    %get3A_746 = arith.constant 0 : index
    %get3A_747 = vector.load %arg1[%get3A_744, %get3A_745, %get3A_746] : memref<1x4096x48xf32, #tpu.memory_space<vmem>>, vector<1x512x48xf32>
    %get3A_748 = vector.shape_cast %get3A_747 : vector<1x512x48xf32> to vector<512x48xf32>
    %get3A_749 = arith.constant 0 : index
    %get3A_750 = arith.constant 0 : index
    %get3A_751 = arith.constant 1024 : index
    %get3A_752 = vector.load %arg2[%get3A_749, %get3A_750, %get3A_751] : memref<1x1x4096xf32, #tpu.memory_space<vmem>>, vector<1x1x512xf32>
    %get3A_753 = vector.shape_cast %get3A_752 : vector<1x1x512xf32> to vector<512xf32>
    %gt3A_754 = arith.constant 0.000000e+00 : f32
    %gt3A_755 = vector.broadcast %gt3A_754 : f32 to vector<512xf32>
    %gt3A_756 = arith.cmpf ogt, %get3A_753, %gt3A_755 : vector<512xf32>
    %jit3A_757 = arith.constant 0.000000e+00 : f32
    %jit3A_758 = arith.constant -1.000000e+30 : f32
    %broadcast_in_dim3A_759 = vector.broadcast %jit3A_757 : f32 to vector<512xf32>
    %broadcast_in_dim3A_760 = vector.broadcast %jit3A_758 : f32 to vector<512xf32>
    %select_n3A_761 = arith.select %gt3A_756, %broadcast_in_dim3A_759, %broadcast_in_dim3A_760 : vector<512xi1>, vector<512xf32>
    %reshape3A_762 = vector.shape_cast %select_n3A_761 : vector<512xf32> to vector<1x512xf32>
    %dot_general3A_763 = arith.constant dense<0.000000e+00> : vector<1024x512xf32>
    %dot_general3A_764 = tpu.matmul %get3A_687, %get3A_748, %dot_general3A_763 {dimension_numbers = #tpu.dot_dimension_numbers<[1], [1], [0], [0], [0, 0, 1, 0], [], []>, transpose_lhs_hint = false} : vector<1024x48xf32>, vector<512x48xf32>, vector<1024x512xf32> -> vector<1024x512xf32>
    %add3A_765 = vector.broadcast %reshape3A_762 : vector<1x512xf32> to vector<1024x512xf32>
    %add3A_766 = arith.addf %dot_general3A_764, %add3A_765 : vector<1024x512xf32>
    %reduce_max3A_767 = arith.constant dense<0xFF800000> : vector<1024xf32>
    %reduce_max3A_768 = vector.multi_reduction <maximumf>, %add3A_766, %reduce_max3A_767 [1] : vector<1024x512xf32> to vector<1024xf32>
    %max3A_769 = arith.maximumf %max3A_743, %reduce_max3A_768 : vector<1024xf32>
    %get3A_770 = arith.constant 0 : index
    %get3A_771 = arith.constant 1536 : index
    %get3A_772 = arith.constant 0 : index
    %get3A_773 = vector.load %arg1[%get3A_770, %get3A_771, %get3A_772] : memref<1x4096x48xf32, #tpu.memory_space<vmem>>, vector<1x512x48xf32>
    %get3A_774 = vector.shape_cast %get3A_773 : vector<1x512x48xf32> to vector<512x48xf32>
    %get3A_775 = arith.constant 0 : index
    %get3A_776 = arith.constant 0 : index
    %get3A_777 = arith.constant 1536 : index
    %get3A_778 = vector.load %arg2[%get3A_775, %get3A_776, %get3A_777] : memref<1x1x4096xf32, #tpu.memory_space<vmem>>, vector<1x1x512xf32>
    %get3A_779 = vector.shape_cast %get3A_778 : vector<1x1x512xf32> to vector<512xf32>
    %gt3A_780 = arith.constant 0.000000e+00 : f32
    %gt3A_781 = vector.broadcast %gt3A_780 : f32 to vector<512xf32>
    %gt3A_782 = arith.cmpf ogt, %get3A_779, %gt3A_781 : vector<512xf32>
    %jit3A_783 = arith.constant 0.000000e+00 : f32
    %jit3A_784 = arith.constant -1.000000e+30 : f32
    %broadcast_in_dim3A_785 = vector.broadcast %jit3A_783 : f32 to vector<512xf32>
    %broadcast_in_dim3A_786 = vector.broadcast %jit3A_784 : f32 to vector<512xf32>
    %select_n3A_787 = arith.select %gt3A_782, %broadcast_in_dim3A_785, %broadcast_in_dim3A_786 : vector<512xi1>, vector<512xf32>
    %reshape3A_788 = vector.shape_cast %select_n3A_787 : vector<512xf32> to vector<1x512xf32>
    %dot_general3A_789 = arith.constant dense<0.000000e+00> : vector<1024x512xf32>
    %dot_general3A_790 = tpu.matmul %get3A_687, %get3A_774, %dot_general3A_789 {dimension_numbers = #tpu.dot_dimension_numbers<[1], [1], [0], [0], [0, 0, 1, 0], [], []>, transpose_lhs_hint = false} : vector<1024x48xf32>, vector<512x48xf32>, vector<1024x512xf32> -> vector<1024x512xf32>
    %add3A_791 = vector.broadcast %reshape3A_788 : vector<1x512xf32> to vector<1024x512xf32>
    %add3A_792 = arith.addf %dot_general3A_790, %add3A_791 : vector<1024x512xf32>
    %reduce_max3A_793 = arith.constant dense<0xFF800000> : vector<1024xf32>
    %reduce_max3A_794 = vector.multi_reduction <maximumf>, %add3A_792, %reduce_max3A_793 [1] : vector<1024x512xf32> to vector<1024xf32>
    %max3A_795 = arith.maximumf %max3A_769, %reduce_max3A_794 : vector<1024xf32>
    %get3A_796 = arith.constant 0 : index
    %get3A_797 = arith.constant 2048 : index
    %get3A_798 = arith.constant 0 : index
    %get3A_799 = vector.load %arg1[%get3A_796, %get3A_797, %get3A_798] : memref<1x4096x48xf32, #tpu.memory_space<vmem>>, vector<1x512x48xf32>
    %get3A_800 = vector.shape_cast %get3A_799 : vector<1x512x48xf32> to vector<512x48xf32>
    %get3A_801 = arith.constant 0 : index
    %get3A_802 = arith.constant 0 : index
    %get3A_803 = arith.constant 2048 : index
    %get3A_804 = vector.load %arg2[%get3A_801, %get3A_802, %get3A_803] : memref<1x1x4096xf32, #tpu.memory_space<vmem>>, vector<1x1x512xf32>
    %get3A_805 = vector.shape_cast %get3A_804 : vector<1x1x512xf32> to vector<512xf32>
    %gt3A_806 = arith.constant 0.000000e+00 : f32
    %gt3A_807 = vector.broadcast %gt3A_806 : f32 to vector<512xf32>
    %gt3A_808 = arith.cmpf ogt, %get3A_805, %gt3A_807 : vector<512xf32>
    %jit3A_809 = arith.constant 0.000000e+00 : f32
    %jit3A_810 = arith.constant -1.000000e+30 : f32
    %broadcast_in_dim3A_811 = vector.broadcast %jit3A_809 : f32 to vector<512xf32>
    %broadcast_in_dim3A_812 = vector.broadcast %jit3A_810 : f32 to vector<512xf32>
    %select_n3A_813 = arith.select %gt3A_808, %broadcast_in_dim3A_811, %broadcast_in_dim3A_812 : vector<512xi1>, vector<512xf32>
    %reshape3A_814 = vector.shape_cast %select_n3A_813 : vector<512xf32> to vector<1x512xf32>
    %dot_general3A_815 = arith.constant dense<0.000000e+00> : vector<1024x512xf32>
    %dot_general3A_816 = tpu.matmul %get3A_687, %get3A_800, %dot_general3A_815 {dimension_numbers = #tpu.dot_dimension_numbers<[1], [1], [0], [0], [0, 0, 1, 0], [], []>, transpose_lhs_hint = false} : vector<1024x48xf32>, vector<512x48xf32>, vector<1024x512xf32> -> vector<1024x512xf32>
    %add3A_817 = vector.broadcast %reshape3A_814 : vector<1x512xf32> to vector<1024x512xf32>
    %add3A_818 = arith.addf %dot_general3A_816, %add3A_817 : vector<1024x512xf32>
    %reduce_max3A_819 = arith.constant dense<0xFF800000> : vector<1024xf32>
    %reduce_max3A_820 = vector.multi_reduction <maximumf>, %add3A_818, %reduce_max3A_819 [1] : vector<1024x512xf32> to vector<1024xf32>
    %max3A_821 = arith.maximumf %max3A_795, %reduce_max3A_820 : vector<1024xf32>
    %get3A_822 = arith.constant 0 : index
    %get3A_823 = arith.constant 2560 : index
    %get3A_824 = arith.constant 0 : index
    %get3A_825 = vector.load %arg1[%get3A_822, %get3A_823, %get3A_824] : memref<1x4096x48xf32, #tpu.memory_space<vmem>>, vector<1x512x48xf32>
    %get3A_826 = vector.shape_cast %get3A_825 : vector<1x512x48xf32> to vector<512x48xf32>
    %get3A_827 = arith.constant 0 : index
    %get3A_828 = arith.constant 0 : index
    %get3A_829 = arith.constant 2560 : index
    %get3A_830 = vector.load %arg2[%get3A_827, %get3A_828, %get3A_829] : memref<1x1x4096xf32, #tpu.memory_space<vmem>>, vector<1x1x512xf32>
    %get3A_831 = vector.shape_cast %get3A_830 : vector<1x1x512xf32> to vector<512xf32>
    %gt3A_832 = arith.constant 0.000000e+00 : f32
    %gt3A_833 = vector.broadcast %gt3A_832 : f32 to vector<512xf32>
    %gt3A_834 = arith.cmpf ogt, %get3A_831, %gt3A_833 : vector<512xf32>
    %jit3A_835 = arith.constant 0.000000e+00 : f32
    %jit3A_836 = arith.constant -1.000000e+30 : f32
    %broadcast_in_dim3A_837 = vector.broadcast %jit3A_835 : f32 to vector<512xf32>
    %broadcast_in_dim3A_838 = vector.broadcast %jit3A_836 : f32 to vector<512xf32>
    %select_n3A_839 = arith.select %gt3A_834, %broadcast_in_dim3A_837, %broadcast_in_dim3A_838 : vector<512xi1>, vector<512xf32>
    %reshape3A_840 = vector.shape_cast %select_n3A_839 : vector<512xf32> to vector<1x512xf32>
    %dot_general3A_841 = arith.constant dense<0.000000e+00> : vector<1024x512xf32>
    %dot_general3A_842 = tpu.matmul %get3A_687, %get3A_826, %dot_general3A_841 {dimension_numbers = #tpu.dot_dimension_numbers<[1], [1], [0], [0], [0, 0, 1, 0], [], []>, transpose_lhs_hint = false} : vector<1024x48xf32>, vector<512x48xf32>, vector<1024x512xf32> -> vector<1024x512xf32>
    %add3A_843 = vector.broadcast %reshape3A_840 : vector<1x512xf32> to vector<1024x512xf32>
    %add3A_844 = arith.addf %dot_general3A_842, %add3A_843 : vector<1024x512xf32>
    %reduce_max3A_845 = arith.constant dense<0xFF800000> : vector<1024xf32>
    %reduce_max3A_846 = vector.multi_reduction <maximumf>, %add3A_844, %reduce_max3A_845 [1] : vector<1024x512xf32> to vector<1024xf32>
    %max3A_847 = arith.maximumf %max3A_821, %reduce_max3A_846 : vector<1024xf32>
    %get3A_848 = arith.constant 0 : index
    %get3A_849 = arith.constant 3072 : index
    %get3A_850 = arith.constant 0 : index
    %get3A_851 = vector.load %arg1[%get3A_848, %get3A_849, %get3A_850] : memref<1x4096x48xf32, #tpu.memory_space<vmem>>, vector<1x512x48xf32>
    %get3A_852 = vector.shape_cast %get3A_851 : vector<1x512x48xf32> to vector<512x48xf32>
    %get3A_853 = arith.constant 0 : index
    %get3A_854 = arith.constant 0 : index
    %get3A_855 = arith.constant 3072 : index
    %get3A_856 = vector.load %arg2[%get3A_853, %get3A_854, %get3A_855] : memref<1x1x4096xf32, #tpu.memory_space<vmem>>, vector<1x1x512xf32>
    %get3A_857 = vector.shape_cast %get3A_856 : vector<1x1x512xf32> to vector<512xf32>
    %gt3A_858 = arith.constant 0.000000e+00 : f32
    %gt3A_859 = vector.broadcast %gt3A_858 : f32 to vector<512xf32>
    %gt3A_860 = arith.cmpf ogt, %get3A_857, %gt3A_859 : vector<512xf32>
    %jit3A_861 = arith.constant 0.000000e+00 : f32
    %jit3A_862 = arith.constant -1.000000e+30 : f32
    %broadcast_in_dim3A_863 = vector.broadcast %jit3A_861 : f32 to vector<512xf32>
    %broadcast_in_dim3A_864 = vector.broadcast %jit3A_862 : f32 to vector<512xf32>
    %select_n3A_865 = arith.select %gt3A_860, %broadcast_in_dim3A_863, %broadcast_in_dim3A_864 : vector<512xi1>, vector<512xf32>
    %reshape3A_866 = vector.shape_cast %select_n3A_865 : vector<512xf32> to vector<1x512xf32>
    %dot_general3A_867 = arith.constant dense<0.000000e+00> : vector<1024x512xf32>
    %dot_general3A_868 = tpu.matmul %get3A_687, %get3A_852, %dot_general3A_867 {dimension_numbers = #tpu.dot_dimension_numbers<[1], [1], [0], [0], [0, 0, 1, 0], [], []>, transpose_lhs_hint = false} : vector<1024x48xf32>, vector<512x48xf32>, vector<1024x512xf32> -> vector<1024x512xf32>
    %add3A_869 = vector.broadcast %reshape3A_866 : vector<1x512xf32> to vector<1024x512xf32>
    %add3A_870 = arith.addf %dot_general3A_868, %add3A_869 : vector<1024x512xf32>
    %reduce_max3A_871 = arith.constant dense<0xFF800000> : vector<1024xf32>
    %reduce_max3A_872 = vector.multi_reduction <maximumf>, %add3A_870, %reduce_max3A_871 [1] : vector<1024x512xf32> to vector<1024xf32>
    %max3A_873 = arith.maximumf %max3A_847, %reduce_max3A_872 : vector<1024xf32>
    %get3A_874 = arith.constant 0 : index
    %get3A_875 = arith.constant 3584 : index
    %get3A_876 = arith.constant 0 : index
    %get3A_877 = vector.load %arg1[%get3A_874, %get3A_875, %get3A_876] : memref<1x4096x48xf32, #tpu.memory_space<vmem>>, vector<1x512x48xf32>
    %get3A_878 = vector.shape_cast %get3A_877 : vector<1x512x48xf32> to vector<512x48xf32>
    %get3A_879 = arith.constant 0 : index
    %get3A_880 = arith.constant 0 : index
    %get3A_881 = arith.constant 3584 : index
    %get3A_882 = vector.load %arg2[%get3A_879, %get3A_880, %get3A_881] : memref<1x1x4096xf32, #tpu.memory_space<vmem>>, vector<1x1x512xf32>
    %get3A_883 = vector.shape_cast %get3A_882 : vector<1x1x512xf32> to vector<512xf32>
    %gt3A_884 = arith.constant 0.000000e+00 : f32
    %gt3A_885 = vector.broadcast %gt3A_884 : f32 to vector<512xf32>
    %gt3A_886 = arith.cmpf ogt, %get3A_883, %gt3A_885 : vector<512xf32>
    %jit3A_887 = arith.constant 0.000000e+00 : f32
    %jit3A_888 = arith.constant -1.000000e+30 : f32
    %broadcast_in_dim3A_889 = vector.broadcast %jit3A_887 : f32 to vector<512xf32>
    %broadcast_in_dim3A_890 = vector.broadcast %jit3A_888 : f32 to vector<512xf32>
    %select_n3A_891 = arith.select %gt3A_886, %broadcast_in_dim3A_889, %broadcast_in_dim3A_890 : vector<512xi1>, vector<512xf32>
    %reshape3A_892 = vector.shape_cast %select_n3A_891 : vector<512xf32> to vector<1x512xf32>
    %dot_general3A_893 = arith.constant dense<0.000000e+00> : vector<1024x512xf32>
    %dot_general3A_894 = tpu.matmul %get3A_687, %get3A_878, %dot_general3A_893 {dimension_numbers = #tpu.dot_dimension_numbers<[1], [1], [0], [0], [0, 0, 1, 0], [], []>, transpose_lhs_hint = false} : vector<1024x48xf32>, vector<512x48xf32>, vector<1024x512xf32> -> vector<1024x512xf32>
    %add3A_895 = vector.broadcast %reshape3A_892 : vector<1x512xf32> to vector<1024x512xf32>
    %add3A_896 = arith.addf %dot_general3A_894, %add3A_895 : vector<1024x512xf32>
    %reduce_max3A_897 = arith.constant dense<0xFF800000> : vector<1024xf32>
    %reduce_max3A_898 = vector.multi_reduction <maximumf>, %add3A_896, %reduce_max3A_897 [1] : vector<1024x512xf32> to vector<1024xf32>
    %max3A_899 = arith.maximumf %max3A_873, %reduce_max3A_898 : vector<1024xf32>
    %reshape3A_900 = vector.shape_cast %dot_general3A_689 : vector<1024x1xf32> to vector<1024xf32>
    %mul3A_901 = arith.constant 2.44140625E-4 : f32
    %mul3A_902 = vector.broadcast %mul3A_901 : f32 to vector<1024xf32>
    %mul3A_903 = arith.mulf %reshape3A_900, %mul3A_902 : vector<1024xf32>
    %sub3A_904 = arith.subf %max3A_899, %mul3A_903 : vector<1024xf32>
    %swap3A_905 = arith.constant 0 : index
    %swap3A_906 = arith.constant 0 : index
    %swap3A_907 = arith.constant 3072 : index
    %swap3A_908 = vector.load %arg3[%swap3A_905, %swap3A_906, %swap3A_907] : memref<1x1x4096xf32, #tpu.memory_space<vmem>>, vector<1x1x1024xf32>
    %swap3A_909 = vector.shape_cast %swap3A_908 : vector<1x1x1024xf32> to vector<1024xf32>
    %swap3A_910 = vector.shape_cast %sub3A_904 : vector<1024xf32> to vector<1x1x1024xf32>
    tpu.vector_store %arg3[%swap3A_905, %swap3A_906, %swap3A_907], %swap3A_910 {strides = array<i32>} : memref<1x1x4096xf32, #tpu.memory_space<vmem>>, vector<1x1x1024xf32>,
    return
  }
  func.func @transform_0(%arg0: i32) -> (i32, i32, i32) {
    %c0_i32 = arith.constant 0 : i32
    %c0_i32_0 = arith.constant 0 : i32
    %c0_i32_1 = arith.constant 0 : i32
    return %arg0, %c0_i32, %c0_i32_0 : i32, i32, i32
  }
  func.func @transform_1(%arg0: i32) -> (i32, i32, i32) {
    %c0_i32 = arith.constant 0 : i32
    %c0_i32_0 = arith.constant 0 : i32
    %c0_i32_1 = arith.constant 0 : i32
    %c0_i32_2 = arith.constant 0 : i32
    return %c0_i32, %c0_i32_0, %c0_i32_1 : i32, i32, i32
  }
  func.func @transform_2(%arg0: i32) -> (i32, i32, i32) {
    %c0_i32 = arith.constant 0 : i32
    %c0_i32_0 = arith.constant 0 : i32
    %c0_i32_1 = arith.constant 0 : i32
    return %arg0, %c0_i32, %c0_i32_0 : i32, i32, i32
  }
}

module attributes {stable_mosaic.version = 14 : i64} {
  func.func @body(%arg0: memref<4x4096x45xf32, #tpu.memory_space<vmem>>, %arg1: memref<4x4096xf32, #tpu.memory_space<vmem>>, %arg2: memref<45xf32, #tpu.memory_space<vmem>>, %arg3: memref<45xf32, #tpu.memory_space<vmem>>, %arg4: memref<45xf32, #tpu.memory_space<vmem>>, %arg5: memref<45xf32, #tpu.memory_space<vmem>>, %arg6: memref<45x128xf32, #tpu.memory_space<vmem>>, %arg7: memref<128xf32, #tpu.memory_space<vmem>>, %arg8: memref<128x45xf32, #tpu.memory_space<vmem>>, %arg9: memref<45xf32, #tpu.memory_space<vmem>>, %arg10: memref<4x45x45xf32, #tpu.memory_space<vmem>>, %arg11: memref<4x4096xf32, #tpu.memory_space<vmem>>, %arg12: memref<45x4x1xi32, #tpu.memory_space<vmem>>) attributes {dimension_semantics = [], scalar_prefetch = 0 : i64, scratch_operands = 2 : i64, tpu.core_type = #tpu.core_type<tc>} {
    %get3A = arith.constant 0 : index
    %get3A_0 = arith.constant 0 : index
    %get3A_1 = vector.load %arg1[%get3A, %get3A_0] : memref<4x4096xf32, #tpu.memory_space<vmem>>, vector<4x4096xf32>
    %swap3A = arith.constant 0 : index
    %swap3A_2 = arith.constant 0 : index
    %swap3A_3 = vector.load %arg11[%swap3A, %swap3A_2] : memref<4x4096xf32, #tpu.memory_space<vmem>>, vector<4x4096xf32>
    tpu.vector_store %arg11[%swap3A, %swap3A_2], %get3A_1 {strides = array<i32>} : memref<4x4096xf32, #tpu.memory_space<vmem>>, vector<4x4096xf32>,
    %iota3A = tpu.iota {dimensions = array<i32: 1>} : vector<4x4096xi32>
    %iota3A_4 = tpu.iota {dimensions = array<i32: 1>} : vector<1x4096xi32>
    %scan3A = arith.constant 0 : i32
    %scan3A_5 = arith.constant 45 : i32
    %scan3A_6 = arith.addi %scan3A, %scan3A_5 : i32
    %scan3A_7 = arith.constant 1 : i32
    scf.for %scan3A_516 = %scan3A to %scan3A_6 step %scan3A_7  : i32 {
      %get3A_517 = arith.constant 0 : index
      %get3A_518 = arith.constant 0 : index
      %get3A_519 = vector.load %arg11[%get3A_517, %get3A_518] : memref<4x4096xf32, #tpu.memory_space<vmem>>, vector<4x4096xf32>
      %reduce_max3A_520 = arith.constant dense<0xFF800000> : vector<4xf32>
      %reduce_max3A_521 = vector.multi_reduction <maximumf>, %get3A_519, %reduce_max3A_520 [1] : vector<4x4096xf32> to vector<4xf32>
      %broadcast_in_dim3A_522 = vector.shape_cast %reduce_max3A_521 : vector<4xf32> to vector<4x1xf32>
      %eq3A_523 = vector.broadcast %broadcast_in_dim3A_522 : vector<4x1xf32> to vector<4x4096xf32>
      %eq3A_524 = arith.cmpf oeq, %get3A_519, %eq3A_523 : vector<4x4096xf32>
      %jit3A_525 = arith.constant 4096 : i32
      %broadcast_in_dim3A_526 = vector.broadcast %jit3A_525 : i32 to vector<4x4096xi32>
      %select_n3A_527 = arith.select %eq3A_524, %iota3A, %broadcast_in_dim3A_526 : vector<4x4096xi1>, vector<4x4096xi32>
      %reduce_min3A = arith.constant dense<2147483647> : vector<4xi32>
      %reduce_min3A_528 = vector.multi_reduction <minsi>, %select_n3A_527, %reduce_min3A [1] : vector<4x4096xi32> to vector<4xi32>
      %broadcast_in_dim3A_529 = vector.shape_cast %reduce_min3A_528 : vector<4xi32> to vector<4x1xi32>
      %eq3A_530 = vector.broadcast %broadcast_in_dim3A_529 : vector<4x1xi32> to vector<4x4096xi32>
      %eq3A_531 = arith.cmpi eq, %iota3A, %eq3A_530 : vector<4x4096xi32>
      %jit3A_532 = arith.constant 0xFF800000 : f32
      %broadcast_in_dim3A_533 = vector.broadcast %jit3A_532 : f32 to vector<4x4096xf32>
      %select_n3A_534 = arith.select %eq3A_531, %broadcast_in_dim3A_533, %get3A_519 : vector<4x4096xi1>, vector<4x4096xf32>
      %swap3A_535 = arith.constant 0 : index
      %swap3A_536 = arith.constant 0 : index
      %swap3A_537 = vector.load %arg11[%swap3A_535, %swap3A_536] : memref<4x4096xf32, #tpu.memory_space<vmem>>, vector<4x4096xf32>
      tpu.vector_store %arg11[%swap3A_535, %swap3A_536], %select_n3A_534 {strides = array<i32>} : memref<4x4096xf32, #tpu.memory_space<vmem>>, vector<4x4096xf32>,
      %swap3A_538 = arith.index_cast %scan3A_516 : i32 to index
      %swap3A_539 = arith.constant 0 : index
      %swap3A_540 = arith.constant 0 : index
      %swap3A_541 = vector.load %arg12[%swap3A_538, %swap3A_539, %swap3A_540] : memref<45x4x1xi32, #tpu.memory_space<vmem>>, vector<1x4x1xi32>
      %swap3A_542 = vector.shape_cast %swap3A_541 : vector<1x4x1xi32> to vector<4x1xi32>
      %swap3A_543 = vector.shape_cast %broadcast_in_dim3A_529 : vector<4x1xi32> to vector<1x4x1xi32>
      tpu.vector_store %arg12[%swap3A_538, %swap3A_539, %swap3A_540], %swap3A_543 {strides = array<i32>} : memref<45x4x1xi32, #tpu.memory_space<vmem>>, vector<1x4x1xi32>,
    }
    %scan3A_8 = arith.constant 45 : i32
    %get3A_9 = arith.constant 0 : index
    %get3A_10 = arith.constant 0 : index
    %get3A_11 = arith.constant 0 : index
    %get3A_12 = vector.load %arg12[%get3A_9, %get3A_10, %get3A_11] : memref<45x4x1xi32, #tpu.memory_space<vmem>>, vector<45x4x1xi32>
    %get3A_13 = arith.constant 0 : index
    %get3A_14 = arith.constant 0 : index
    %get3A_15 = arith.constant 0 : index
    %get3A_16 = vector.load %arg0[%get3A_13, %get3A_14, %get3A_15] : memref<4x4096x45xf32, #tpu.memory_space<vmem>>, vector<1x4096x45xf32>
    %get3A_17 = vector.shape_cast %get3A_16 : vector<1x4096x45xf32> to vector<4096x45xf32>
    %slice3A = vector.extract_strided_slice %get3A_12 {offsets = [0, 0, 0], sizes = [45, 1, 1], strides = [1, 1, 1]} : vector<45x4x1xi32> to vector<45x1x1xi32>
    %reshape3A = vector.shape_cast %slice3A : vector<45x1x1xi32> to vector<45x1xi32>
    %eq3A = vector.broadcast %reshape3A : vector<45x1xi32> to vector<45x4096xi32>
    %eq3A_18 = vector.broadcast %iota3A_4 : vector<1x4096xi32> to vector<45x4096xi32>
    %eq3A_19 = arith.cmpi eq, %eq3A, %eq3A_18 : vector<45x4096xi32>
    %jit3A = arith.constant 1.000000e+00 : f32
    %jit3A_20 = arith.constant 0.000000e+00 : f32
    %broadcast_in_dim3A = vector.broadcast %jit3A : f32 to vector<45x4096xf32>
    %broadcast_in_dim3A_21 = vector.broadcast %jit3A_20 : f32 to vector<45x4096xf32>
    %select_n3A = arith.select %eq3A_19, %broadcast_in_dim3A, %broadcast_in_dim3A_21 : vector<45x4096xi1>, vector<45x4096xf32>
    %dot_general3A = arith.constant dense<0.000000e+00> : vector<45x45xf32>
    %dot_general3A_22 = tpu.matmul %select_n3A, %get3A_17, %dot_general3A {dimension_numbers = #tpu.dot_dimension_numbers<[1], [0], [0], [1], [0, 0, 1, 1], [], []>, transpose_lhs_hint = false} : vector<45x4096xf32>, vector<4096x45xf32>, vector<45x45xf32> -> vector<45x45xf32>
    %dot_general3A_23 = arith.constant dense<0.000000e+00> : vector<45x4096xf32>
    %dot_general3A_24 = tpu.matmul %dot_general3A_22, %get3A_17, %dot_general3A_23 {dimension_numbers = #tpu.dot_dimension_numbers<[1], [1], [0], [0], [0, 0, 1, 0], [], []>, transpose_lhs_hint = false} : vector<45x45xf32>, vector<4096x45xf32>, vector<45x4096xf32> -> vector<45x4096xf32>
    %mul3A = arith.constant 0.149071202 : f32
    %mul3A_25 = vector.broadcast %mul3A : f32 to vector<45x4096xf32>
    %mul3A_26 = arith.mulf %dot_general3A_24, %mul3A_25 : vector<45x4096xf32>
    %reduce_max3A = arith.constant dense<0xFF800000> : vector<45xf32>
    %reduce_max3A_27 = vector.multi_reduction <maximumf>, %mul3A_26, %reduce_max3A [1] : vector<45x4096xf32> to vector<45xf32>
    %broadcast_in_dim3A_28 = vector.shape_cast %reduce_max3A_27 : vector<45xf32> to vector<45x1xf32>
    %sub3A = vector.broadcast %broadcast_in_dim3A_28 : vector<45x1xf32> to vector<45x4096xf32>
    %sub3A_29 = arith.subf %mul3A_26, %sub3A : vector<45x4096xf32>
    %exp3A = math.exp %sub3A_29 : vector<45x4096xf32>
    %reduce_sum3A = arith.constant dense<0.000000e+00> : vector<45xf32>
    %reduce_sum3A_30 = vector.multi_reduction <add>, %exp3A, %reduce_sum3A [1] : vector<45x4096xf32> to vector<45xf32>
    %broadcast_in_dim3A_31 = vector.shape_cast %reduce_sum3A_30 : vector<45xf32> to vector<45x1xf32>
    %div3A = vector.broadcast %broadcast_in_dim3A_31 : vector<45x1xf32> to vector<45x4096xf32>
    %div3A_32 = arith.divf %exp3A, %div3A : vector<45x4096xf32>
    %dot_general3A_33 = arith.constant dense<0.000000e+00> : vector<45x45xf32>
    %dot_general3A_34 = tpu.matmul %div3A_32, %get3A_17, %dot_general3A_33 {dimension_numbers = #tpu.dot_dimension_numbers<[1], [0], [0], [1], [0, 0, 1, 1], [], []>, transpose_lhs_hint = false} : vector<45x4096xf32>, vector<4096x45xf32>, vector<45x45xf32> -> vector<45x45xf32>
    %get3A_35 = arith.constant 0 : index
    %get3A_36 = vector.load %arg2[%get3A_35] : memref<45xf32, #tpu.memory_space<vmem>>, vector<45xf32>
    %get3A_37 = arith.constant 0 : index
    %get3A_38 = vector.load %arg3[%get3A_37] : memref<45xf32, #tpu.memory_space<vmem>>, vector<45xf32>
    %reduce_sum3A_39 = arith.constant dense<0.000000e+00> : vector<45xf32>
    %reduce_sum3A_40 = vector.multi_reduction <add>, %dot_general3A_34, %reduce_sum3A_39 [1] : vector<45x45xf32> to vector<45xf32>
    %broadcast_in_dim3A_41 = vector.shape_cast %reduce_sum3A_40 : vector<45xf32> to vector<45x1xf32>
    %div3A_42 = arith.constant 4.500000e+01 : f32
    %div3A_43 = vector.broadcast %div3A_42 : f32 to vector<45x1xf32>
    %div3A_44 = arith.divf %broadcast_in_dim3A_41, %div3A_43 : vector<45x1xf32>
    %sub3A_45 = vector.broadcast %div3A_44 : vector<45x1xf32> to vector<45x45xf32>
    %sub3A_46 = arith.subf %dot_general3A_34, %sub3A_45 : vector<45x45xf32>
    %integer_pow3A = arith.mulf %sub3A_46, %sub3A_46 : vector<45x45xf32>
    %reduce_sum3A_47 = arith.constant dense<0.000000e+00> : vector<45xf32>
    %reduce_sum3A_48 = vector.multi_reduction <add>, %integer_pow3A, %reduce_sum3A_47 [1] : vector<45x45xf32> to vector<45xf32>
    %broadcast_in_dim3A_49 = vector.shape_cast %reduce_sum3A_48 : vector<45xf32> to vector<45x1xf32>
    %div3A_50 = arith.constant 4.500000e+01 : f32
    %div3A_51 = vector.broadcast %div3A_50 : f32 to vector<45x1xf32>
    %div3A_52 = arith.divf %broadcast_in_dim3A_49, %div3A_51 : vector<45x1xf32>
    %sub3A_53 = vector.broadcast %div3A_44 : vector<45x1xf32> to vector<45x45xf32>
    %sub3A_54 = arith.subf %dot_general3A_34, %sub3A_53 : vector<45x45xf32>
    %broadcast_in_dim3A_55 = vector.shape_cast %get3A_36 : vector<45xf32> to vector<1x45xf32>
    %mul3A_56 = vector.broadcast %broadcast_in_dim3A_55 : vector<1x45xf32> to vector<45x45xf32>
    %mul3A_57 = arith.mulf %mul3A_56, %sub3A_54 : vector<45x45xf32>
    %add3A = arith.constant 9.99999996E-13 : f32
    %add3A_58 = vector.broadcast %add3A : f32 to vector<45x1xf32>
    %add3A_59 = arith.addf %div3A_52, %add3A_58 : vector<45x1xf32>
    %sqrt3A = math.sqrt %add3A_59 : vector<45x1xf32>
    %div3A_60 = vector.broadcast %sqrt3A : vector<45x1xf32> to vector<45x45xf32>
    %div3A_61 = arith.divf %mul3A_57, %div3A_60 : vector<45x45xf32>
    %broadcast_in_dim3A_62 = vector.shape_cast %get3A_38 : vector<45xf32> to vector<1x45xf32>
    %add3A_63 = vector.broadcast %broadcast_in_dim3A_62 : vector<1x45xf32> to vector<45x45xf32>
    %add3A_64 = arith.addf %div3A_61, %add3A_63 : vector<45x45xf32>
    %get3A_65 = arith.constant 0 : index
    %get3A_66 = arith.constant 0 : index
    %get3A_67 = vector.load %arg6[%get3A_65, %get3A_66] : memref<45x128xf32, #tpu.memory_space<vmem>>, vector<45x128xf32>
    %dot_general3A_68 = arith.constant dense<0.000000e+00> : vector<45x128xf32>
    %dot_general3A_69 = tpu.matmul %add3A_64, %get3A_67, %dot_general3A_68 {dimension_numbers = #tpu.dot_dimension_numbers<[0], [0], [1], [1], [0, 1, 1, 1], [], []>, transpose_lhs_hint = false} : vector<45x45xf32>, vector<45x128xf32>, vector<45x128xf32> -> vector<45x128xf32>
    %get3A_70 = arith.constant 0 : index
    %get3A_71 = vector.load %arg7[%get3A_70] : memref<128xf32, #tpu.memory_space<vmem>>, vector<128xf32>
    %broadcast_in_dim3A_72 = vector.shape_cast %get3A_71 : vector<128xf32> to vector<1x128xf32>
    %add3A_73 = vector.broadcast %broadcast_in_dim3A_72 : vector<1x128xf32> to vector<45x128xf32>
    %add3A_74 = arith.addf %dot_general3A_69, %add3A_73 : vector<45x128xf32>
    %max3A = arith.constant 0.000000e+00 : f32
    %max3A_75 = vector.broadcast %max3A : f32 to vector<45x128xf32>
    %max3A_76 = arith.maximumf %add3A_74, %max3A_75 : vector<45x128xf32>
    %get3A_77 = arith.constant 0 : index
    %get3A_78 = arith.constant 0 : index
    %get3A_79 = vector.load %arg8[%get3A_77, %get3A_78] : memref<128x45xf32, #tpu.memory_space<vmem>>, vector<128x45xf32>
    %dot_general3A_80 = arith.constant dense<0.000000e+00> : vector<45x45xf32>
    %dot_general3A_81 = tpu.matmul %get3A_79, %max3A_76, %dot_general3A_80 {dimension_numbers = #tpu.dot_dimension_numbers<[0], [1], [1], [0], [0, 1, 1, 0], [], []>, transpose_lhs_hint = false} : vector<128x45xf32>, vector<45x128xf32>, vector<45x45xf32> -> vector<45x45xf32>
    %get3A_82 = arith.constant 0 : index
    %get3A_83 = vector.load %arg9[%get3A_82] : memref<45xf32, #tpu.memory_space<vmem>>, vector<45xf32>
    %reshape3A_84 = vector.shape_cast %get3A_83 : vector<45xf32> to vector<45x1xf32>
    %add3A_85 = vector.broadcast %reshape3A_84 : vector<45x1xf32> to vector<45x45xf32>
    %add3A_86 = arith.addf %dot_general3A_81, %add3A_85 : vector<45x45xf32>
    %get3A_87 = arith.constant 0 : index
    %get3A_88 = vector.load %arg4[%get3A_87] : memref<45xf32, #tpu.memory_space<vmem>>, vector<45xf32>
    %get3A_89 = arith.constant 0 : index
    %get3A_90 = vector.load %arg5[%get3A_89] : memref<45xf32, #tpu.memory_space<vmem>>, vector<45xf32>
    %reduce_sum3A_91 = arith.constant dense<0.000000e+00> : vector<45xf32>
    %reduce_sum3A_92 = vector.multi_reduction <add>, %add3A_86, %reduce_sum3A_91 [1] : vector<45x45xf32> to vector<45xf32>
    %broadcast_in_dim3A_93 = vector.shape_cast %reduce_sum3A_92 : vector<45xf32> to vector<45x1xf32>
    %div3A_94 = arith.constant 4.500000e+01 : f32
    %div3A_95 = vector.broadcast %div3A_94 : f32 to vector<45x1xf32>
    %div3A_96 = arith.divf %broadcast_in_dim3A_93, %div3A_95 : vector<45x1xf32>
    %sub3A_97 = vector.broadcast %div3A_96 : vector<45x1xf32> to vector<45x45xf32>
    %sub3A_98 = arith.subf %add3A_86, %sub3A_97 : vector<45x45xf32>
    %integer_pow3A_99 = arith.mulf %sub3A_98, %sub3A_98 : vector<45x45xf32>
    %reduce_sum3A_100 = arith.constant dense<0.000000e+00> : vector<45xf32>
    %reduce_sum3A_101 = vector.multi_reduction <add>, %integer_pow3A_99, %reduce_sum3A_100 [1] : vector<45x45xf32> to vector<45xf32>
    %broadcast_in_dim3A_102 = vector.shape_cast %reduce_sum3A_101 : vector<45xf32> to vector<45x1xf32>
    %div3A_103 = arith.constant 4.500000e+01 : f32
    %div3A_104 = vector.broadcast %div3A_103 : f32 to vector<45x1xf32>
    %div3A_105 = arith.divf %broadcast_in_dim3A_102, %div3A_104 : vector<45x1xf32>
    %sub3A_106 = vector.broadcast %div3A_96 : vector<45x1xf32> to vector<45x45xf32>
    %sub3A_107 = arith.subf %add3A_86, %sub3A_106 : vector<45x45xf32>
    %broadcast_in_dim3A_108 = vector.shape_cast %get3A_88 : vector<45xf32> to vector<1x45xf32>
    %mul3A_109 = vector.broadcast %broadcast_in_dim3A_108 : vector<1x45xf32> to vector<45x45xf32>
    %mul3A_110 = arith.mulf %mul3A_109, %sub3A_107 : vector<45x45xf32>
    %add3A_111 = arith.constant 9.99999996E-13 : f32
    %add3A_112 = vector.broadcast %add3A_111 : f32 to vector<45x1xf32>
    %add3A_113 = arith.addf %div3A_105, %add3A_112 : vector<45x1xf32>
    %sqrt3A_114 = math.sqrt %add3A_113 : vector<45x1xf32>
    %div3A_115 = vector.broadcast %sqrt3A_114 : vector<45x1xf32> to vector<45x45xf32>
    %div3A_116 = arith.divf %mul3A_110, %div3A_115 : vector<45x45xf32>
    %broadcast_in_dim3A_117 = vector.shape_cast %get3A_90 : vector<45xf32> to vector<1x45xf32>
    %add3A_118 = vector.broadcast %broadcast_in_dim3A_117 : vector<1x45xf32> to vector<45x45xf32>
    %add3A_119 = arith.addf %div3A_116, %add3A_118 : vector<45x45xf32>
    %swap3A_120 = arith.constant 0 : index
    %swap3A_121 = arith.constant 0 : index
    %swap3A_122 = arith.constant 0 : index
    %swap3A_123 = vector.load %arg10[%swap3A_120, %swap3A_121, %swap3A_122] : memref<4x45x45xf32, #tpu.memory_space<vmem>>, vector<1x45x45xf32>
    %swap3A_124 = vector.shape_cast %swap3A_123 : vector<1x45x45xf32> to vector<45x45xf32>
    %swap3A_125 = vector.shape_cast %add3A_119 : vector<45x45xf32> to vector<1x45x45xf32>
    tpu.vector_store %arg10[%swap3A_120, %swap3A_121, %swap3A_122], %swap3A_125 {strides = array<i32>} : memref<4x45x45xf32, #tpu.memory_space<vmem>>, vector<1x45x45xf32>,
    %get3A_126 = arith.constant 1 : index
    %get3A_127 = arith.constant 0 : index
    %get3A_128 = arith.constant 0 : index
    %get3A_129 = vector.load %arg0[%get3A_126, %get3A_127, %get3A_128] : memref<4x4096x45xf32, #tpu.memory_space<vmem>>, vector<1x4096x45xf32>
    %get3A_130 = vector.shape_cast %get3A_129 : vector<1x4096x45xf32> to vector<4096x45xf32>
    %slice3A_131 = vector.extract_strided_slice %get3A_12 {offsets = [0, 1, 0], sizes = [45, 1, 1], strides = [1, 1, 1]} : vector<45x4x1xi32> to vector<45x1x1xi32>
    %reshape3A_132 = vector.shape_cast %slice3A_131 : vector<45x1x1xi32> to vector<45x1xi32>
    %eq3A_133 = vector.broadcast %reshape3A_132 : vector<45x1xi32> to vector<45x4096xi32>
    %eq3A_134 = vector.broadcast %iota3A_4 : vector<1x4096xi32> to vector<45x4096xi32>
    %eq3A_135 = arith.cmpi eq, %eq3A_133, %eq3A_134 : vector<45x4096xi32>
    %jit3A_136 = arith.constant 1.000000e+00 : f32
    %jit3A_137 = arith.constant 0.000000e+00 : f32
    %broadcast_in_dim3A_138 = vector.broadcast %jit3A_136 : f32 to vector<45x4096xf32>
    %broadcast_in_dim3A_139 = vector.broadcast %jit3A_137 : f32 to vector<45x4096xf32>
    %select_n3A_140 = arith.select %eq3A_135, %broadcast_in_dim3A_138, %broadcast_in_dim3A_139 : vector<45x4096xi1>, vector<45x4096xf32>
    %dot_general3A_141 = arith.constant dense<0.000000e+00> : vector<45x45xf32>
    %dot_general3A_142 = tpu.matmul %select_n3A_140, %get3A_130, %dot_general3A_141 {dimension_numbers = #tpu.dot_dimension_numbers<[1], [0], [0], [1], [0, 0, 1, 1], [], []>, transpose_lhs_hint = false} : vector<45x4096xf32>, vector<4096x45xf32>, vector<45x45xf32> -> vector<45x45xf32>
    %dot_general3A_143 = arith.constant dense<0.000000e+00> : vector<45x4096xf32>
    %dot_general3A_144 = tpu.matmul %dot_general3A_142, %get3A_130, %dot_general3A_143 {dimension_numbers = #tpu.dot_dimension_numbers<[1], [1], [0], [0], [0, 0, 1, 0], [], []>, transpose_lhs_hint = false} : vector<45x45xf32>, vector<4096x45xf32>, vector<45x4096xf32> -> vector<45x4096xf32>
    %mul3A_145 = arith.constant 0.149071202 : f32
    %mul3A_146 = vector.broadcast %mul3A_145 : f32 to vector<45x4096xf32>
    %mul3A_147 = arith.mulf %dot_general3A_144, %mul3A_146 : vector<45x4096xf32>
    %reduce_max3A_148 = arith.constant dense<0xFF800000> : vector<45xf32>
    %reduce_max3A_149 = vector.multi_reduction <maximumf>, %mul3A_147, %reduce_max3A_148 [1] : vector<45x4096xf32> to vector<45xf32>
    %broadcast_in_dim3A_150 = vector.shape_cast %reduce_max3A_149 : vector<45xf32> to vector<45x1xf32>
    %sub3A_151 = vector.broadcast %broadcast_in_dim3A_150 : vector<45x1xf32> to vector<45x4096xf32>
    %sub3A_152 = arith.subf %mul3A_147, %sub3A_151 : vector<45x4096xf32>
    %exp3A_153 = math.exp %sub3A_152 : vector<45x4096xf32>
    %reduce_sum3A_154 = arith.constant dense<0.000000e+00> : vector<45xf32>
    %reduce_sum3A_155 = vector.multi_reduction <add>, %exp3A_153, %reduce_sum3A_154 [1] : vector<45x4096xf32> to vector<45xf32>
    %broadcast_in_dim3A_156 = vector.shape_cast %reduce_sum3A_155 : vector<45xf32> to vector<45x1xf32>
    %div3A_157 = vector.broadcast %broadcast_in_dim3A_156 : vector<45x1xf32> to vector<45x4096xf32>
    %div3A_158 = arith.divf %exp3A_153, %div3A_157 : vector<45x4096xf32>
    %dot_general3A_159 = arith.constant dense<0.000000e+00> : vector<45x45xf32>
    %dot_general3A_160 = tpu.matmul %div3A_158, %get3A_130, %dot_general3A_159 {dimension_numbers = #tpu.dot_dimension_numbers<[1], [0], [0], [1], [0, 0, 1, 1], [], []>, transpose_lhs_hint = false} : vector<45x4096xf32>, vector<4096x45xf32>, vector<45x45xf32> -> vector<45x45xf32>
    %get3A_161 = arith.constant 0 : index
    %get3A_162 = vector.load %arg2[%get3A_161] : memref<45xf32, #tpu.memory_space<vmem>>, vector<45xf32>
    %get3A_163 = arith.constant 0 : index
    %get3A_164 = vector.load %arg3[%get3A_163] : memref<45xf32, #tpu.memory_space<vmem>>, vector<45xf32>
    %reduce_sum3A_165 = arith.constant dense<0.000000e+00> : vector<45xf32>
    %reduce_sum3A_166 = vector.multi_reduction <add>, %dot_general3A_160, %reduce_sum3A_165 [1] : vector<45x45xf32> to vector<45xf32>
    %broadcast_in_dim3A_167 = vector.shape_cast %reduce_sum3A_166 : vector<45xf32> to vector<45x1xf32>
    %div3A_168 = arith.constant 4.500000e+01 : f32
    %div3A_169 = vector.broadcast %div3A_168 : f32 to vector<45x1xf32>
    %div3A_170 = arith.divf %broadcast_in_dim3A_167, %div3A_169 : vector<45x1xf32>
    %sub3A_171 = vector.broadcast %div3A_170 : vector<45x1xf32> to vector<45x45xf32>
    %sub3A_172 = arith.subf %dot_general3A_160, %sub3A_171 : vector<45x45xf32>
    %integer_pow3A_173 = arith.mulf %sub3A_172, %sub3A_172 : vector<45x45xf32>
    %reduce_sum3A_174 = arith.constant dense<0.000000e+00> : vector<45xf32>
    %reduce_sum3A_175 = vector.multi_reduction <add>, %integer_pow3A_173, %reduce_sum3A_174 [1] : vector<45x45xf32> to vector<45xf32>
    %broadcast_in_dim3A_176 = vector.shape_cast %reduce_sum3A_175 : vector<45xf32> to vector<45x1xf32>
    %div3A_177 = arith.constant 4.500000e+01 : f32
    %div3A_178 = vector.broadcast %div3A_177 : f32 to vector<45x1xf32>
    %div3A_179 = arith.divf %broadcast_in_dim3A_176, %div3A_178 : vector<45x1xf32>
    %sub3A_180 = vector.broadcast %div3A_170 : vector<45x1xf32> to vector<45x45xf32>
    %sub3A_181 = arith.subf %dot_general3A_160, %sub3A_180 : vector<45x45xf32>
    %broadcast_in_dim3A_182 = vector.shape_cast %get3A_162 : vector<45xf32> to vector<1x45xf32>
    %mul3A_183 = vector.broadcast %broadcast_in_dim3A_182 : vector<1x45xf32> to vector<45x45xf32>
    %mul3A_184 = arith.mulf %mul3A_183, %sub3A_181 : vector<45x45xf32>
    %add3A_185 = arith.constant 9.99999996E-13 : f32
    %add3A_186 = vector.broadcast %add3A_185 : f32 to vector<45x1xf32>
    %add3A_187 = arith.addf %div3A_179, %add3A_186 : vector<45x1xf32>
    %sqrt3A_188 = math.sqrt %add3A_187 : vector<45x1xf32>
    %div3A_189 = vector.broadcast %sqrt3A_188 : vector<45x1xf32> to vector<45x45xf32>
    %div3A_190 = arith.divf %mul3A_184, %div3A_189 : vector<45x45xf32>
    %broadcast_in_dim3A_191 = vector.shape_cast %get3A_164 : vector<45xf32> to vector<1x45xf32>
    %add3A_192 = vector.broadcast %broadcast_in_dim3A_191 : vector<1x45xf32> to vector<45x45xf32>
    %add3A_193 = arith.addf %div3A_190, %add3A_192 : vector<45x45xf32>
    %get3A_194 = arith.constant 0 : index
    %get3A_195 = arith.constant 0 : index
    %get3A_196 = vector.load %arg6[%get3A_194, %get3A_195] : memref<45x128xf32, #tpu.memory_space<vmem>>, vector<45x128xf32>
    %dot_general3A_197 = arith.constant dense<0.000000e+00> : vector<45x128xf32>
    %dot_general3A_198 = tpu.matmul %add3A_193, %get3A_196, %dot_general3A_197 {dimension_numbers = #tpu.dot_dimension_numbers<[0], [0], [1], [1], [0, 1, 1, 1], [], []>, transpose_lhs_hint = false} : vector<45x45xf32>, vector<45x128xf32>, vector<45x128xf32> -> vector<45x128xf32>
    %get3A_199 = arith.constant 0 : index
    %get3A_200 = vector.load %arg7[%get3A_199] : memref<128xf32, #tpu.memory_space<vmem>>, vector<128xf32>
    %broadcast_in_dim3A_201 = vector.shape_cast %get3A_200 : vector<128xf32> to vector<1x128xf32>
    %add3A_202 = vector.broadcast %broadcast_in_dim3A_201 : vector<1x128xf32> to vector<45x128xf32>
    %add3A_203 = arith.addf %dot_general3A_198, %add3A_202 : vector<45x128xf32>
    %max3A_204 = arith.constant 0.000000e+00 : f32
    %max3A_205 = vector.broadcast %max3A_204 : f32 to vector<45x128xf32>
    %max3A_206 = arith.maximumf %add3A_203, %max3A_205 : vector<45x128xf32>
    %get3A_207 = arith.constant 0 : index
    %get3A_208 = arith.constant 0 : index
    %get3A_209 = vector.load %arg8[%get3A_207, %get3A_208] : memref<128x45xf32, #tpu.memory_space<vmem>>, vector<128x45xf32>
    %dot_general3A_210 = arith.constant dense<0.000000e+00> : vector<45x45xf32>
    %dot_general3A_211 = tpu.matmul %get3A_209, %max3A_206, %dot_general3A_210 {dimension_numbers = #tpu.dot_dimension_numbers<[0], [1], [1], [0], [0, 1, 1, 0], [], []>, transpose_lhs_hint = false} : vector<128x45xf32>, vector<45x128xf32>, vector<45x45xf32> -> vector<45x45xf32>
    %get3A_212 = arith.constant 0 : index
    %get3A_213 = vector.load %arg9[%get3A_212] : memref<45xf32, #tpu.memory_space<vmem>>, vector<45xf32>
    %reshape3A_214 = vector.shape_cast %get3A_213 : vector<45xf32> to vector<45x1xf32>
    %add3A_215 = vector.broadcast %reshape3A_214 : vector<45x1xf32> to vector<45x45xf32>
    %add3A_216 = arith.addf %dot_general3A_211, %add3A_215 : vector<45x45xf32>
    %get3A_217 = arith.constant 0 : index
    %get3A_218 = vector.load %arg4[%get3A_217] : memref<45xf32, #tpu.memory_space<vmem>>, vector<45xf32>
    %get3A_219 = arith.constant 0 : index
    %get3A_220 = vector.load %arg5[%get3A_219] : memref<45xf32, #tpu.memory_space<vmem>>, vector<45xf32>
    %reduce_sum3A_221 = arith.constant dense<0.000000e+00> : vector<45xf32>
    %reduce_sum3A_222 = vector.multi_reduction <add>, %add3A_216, %reduce_sum3A_221 [1] : vector<45x45xf32> to vector<45xf32>
    %broadcast_in_dim3A_223 = vector.shape_cast %reduce_sum3A_222 : vector<45xf32> to vector<45x1xf32>
    %div3A_224 = arith.constant 4.500000e+01 : f32
    %div3A_225 = vector.broadcast %div3A_224 : f32 to vector<45x1xf32>
    %div3A_226 = arith.divf %broadcast_in_dim3A_223, %div3A_225 : vector<45x1xf32>
    %sub3A_227 = vector.broadcast %div3A_226 : vector<45x1xf32> to vector<45x45xf32>
    %sub3A_228 = arith.subf %add3A_216, %sub3A_227 : vector<45x45xf32>
    %integer_pow3A_229 = arith.mulf %sub3A_228, %sub3A_228 : vector<45x45xf32>
    %reduce_sum3A_230 = arith.constant dense<0.000000e+00> : vector<45xf32>
    %reduce_sum3A_231 = vector.multi_reduction <add>, %integer_pow3A_229, %reduce_sum3A_230 [1] : vector<45x45xf32> to vector<45xf32>
    %broadcast_in_dim3A_232 = vector.shape_cast %reduce_sum3A_231 : vector<45xf32> to vector<45x1xf32>
    %div3A_233 = arith.constant 4.500000e+01 : f32
    %div3A_234 = vector.broadcast %div3A_233 : f32 to vector<45x1xf32>
    %div3A_235 = arith.divf %broadcast_in_dim3A_232, %div3A_234 : vector<45x1xf32>
    %sub3A_236 = vector.broadcast %div3A_226 : vector<45x1xf32> to vector<45x45xf32>
    %sub3A_237 = arith.subf %add3A_216, %sub3A_236 : vector<45x45xf32>
    %broadcast_in_dim3A_238 = vector.shape_cast %get3A_218 : vector<45xf32> to vector<1x45xf32>
    %mul3A_239 = vector.broadcast %broadcast_in_dim3A_238 : vector<1x45xf32> to vector<45x45xf32>
    %mul3A_240 = arith.mulf %mul3A_239, %sub3A_237 : vector<45x45xf32>
    %add3A_241 = arith.constant 9.99999996E-13 : f32
    %add3A_242 = vector.broadcast %add3A_241 : f32 to vector<45x1xf32>
    %add3A_243 = arith.addf %div3A_235, %add3A_242 : vector<45x1xf32>
    %sqrt3A_244 = math.sqrt %add3A_243 : vector<45x1xf32>
    %div3A_245 = vector.broadcast %sqrt3A_244 : vector<45x1xf32> to vector<45x45xf32>
    %div3A_246 = arith.divf %mul3A_240, %div3A_245 : vector<45x45xf32>
    %broadcast_in_dim3A_247 = vector.shape_cast %get3A_220 : vector<45xf32> to vector<1x45xf32>
    %add3A_248 = vector.broadcast %broadcast_in_dim3A_247 : vector<1x45xf32> to vector<45x45xf32>
    %add3A_249 = arith.addf %div3A_246, %add3A_248 : vector<45x45xf32>
    %swap3A_250 = arith.constant 1 : index
    %swap3A_251 = arith.constant 0 : index
    %swap3A_252 = arith.constant 0 : index
    %swap3A_253 = vector.load %arg10[%swap3A_250, %swap3A_251, %swap3A_252] : memref<4x45x45xf32, #tpu.memory_space<vmem>>, vector<1x45x45xf32>
    %swap3A_254 = vector.shape_cast %swap3A_253 : vector<1x45x45xf32> to vector<45x45xf32>
    %swap3A_255 = vector.shape_cast %add3A_249 : vector<45x45xf32> to vector<1x45x45xf32>
    tpu.vector_store %arg10[%swap3A_250, %swap3A_251, %swap3A_252], %swap3A_255 {strides = array<i32>} : memref<4x45x45xf32, #tpu.memory_space<vmem>>, vector<1x45x45xf32>,
    %get3A_256 = arith.constant 2 : index
    %get3A_257 = arith.constant 0 : index
    %get3A_258 = arith.constant 0 : index
    %get3A_259 = vector.load %arg0[%get3A_256, %get3A_257, %get3A_258] : memref<4x4096x45xf32, #tpu.memory_space<vmem>>, vector<1x4096x45xf32>
    %get3A_260 = vector.shape_cast %get3A_259 : vector<1x4096x45xf32> to vector<4096x45xf32>
    %slice3A_261 = vector.extract_strided_slice %get3A_12 {offsets = [0, 2, 0], sizes = [45, 1, 1], strides = [1, 1, 1]} : vector<45x4x1xi32> to vector<45x1x1xi32>
    %reshape3A_262 = vector.shape_cast %slice3A_261 : vector<45x1x1xi32> to vector<45x1xi32>
    %eq3A_263 = vector.broadcast %reshape3A_262 : vector<45x1xi32> to vector<45x4096xi32>
    %eq3A_264 = vector.broadcast %iota3A_4 : vector<1x4096xi32> to vector<45x4096xi32>
    %eq3A_265 = arith.cmpi eq, %eq3A_263, %eq3A_264 : vector<45x4096xi32>
    %jit3A_266 = arith.constant 1.000000e+00 : f32
    %jit3A_267 = arith.constant 0.000000e+00 : f32
    %broadcast_in_dim3A_268 = vector.broadcast %jit3A_266 : f32 to vector<45x4096xf32>
    %broadcast_in_dim3A_269 = vector.broadcast %jit3A_267 : f32 to vector<45x4096xf32>
    %select_n3A_270 = arith.select %eq3A_265, %broadcast_in_dim3A_268, %broadcast_in_dim3A_269 : vector<45x4096xi1>, vector<45x4096xf32>
    %dot_general3A_271 = arith.constant dense<0.000000e+00> : vector<45x45xf32>
    %dot_general3A_272 = tpu.matmul %select_n3A_270, %get3A_260, %dot_general3A_271 {dimension_numbers = #tpu.dot_dimension_numbers<[1], [0], [0], [1], [0, 0, 1, 1], [], []>, transpose_lhs_hint = false} : vector<45x4096xf32>, vector<4096x45xf32>, vector<45x45xf32> -> vector<45x45xf32>
    %dot_general3A_273 = arith.constant dense<0.000000e+00> : vector<45x4096xf32>
    %dot_general3A_274 = tpu.matmul %dot_general3A_272, %get3A_260, %dot_general3A_273 {dimension_numbers = #tpu.dot_dimension_numbers<[1], [1], [0], [0], [0, 0, 1, 0], [], []>, transpose_lhs_hint = false} : vector<45x45xf32>, vector<4096x45xf32>, vector<45x4096xf32> -> vector<45x4096xf32>
    %mul3A_275 = arith.constant 0.149071202 : f32
    %mul3A_276 = vector.broadcast %mul3A_275 : f32 to vector<45x4096xf32>
    %mul3A_277 = arith.mulf %dot_general3A_274, %mul3A_276 : vector<45x4096xf32>
    %reduce_max3A_278 = arith.constant dense<0xFF800000> : vector<45xf32>
    %reduce_max3A_279 = vector.multi_reduction <maximumf>, %mul3A_277, %reduce_max3A_278 [1] : vector<45x4096xf32> to vector<45xf32>
    %broadcast_in_dim3A_280 = vector.shape_cast %reduce_max3A_279 : vector<45xf32> to vector<45x1xf32>
    %sub3A_281 = vector.broadcast %broadcast_in_dim3A_280 : vector<45x1xf32> to vector<45x4096xf32>
    %sub3A_282 = arith.subf %mul3A_277, %sub3A_281 : vector<45x4096xf32>
    %exp3A_283 = math.exp %sub3A_282 : vector<45x4096xf32>
    %reduce_sum3A_284 = arith.constant dense<0.000000e+00> : vector<45xf32>
    %reduce_sum3A_285 = vector.multi_reduction <add>, %exp3A_283, %reduce_sum3A_284 [1] : vector<45x4096xf32> to vector<45xf32>
    %broadcast_in_dim3A_286 = vector.shape_cast %reduce_sum3A_285 : vector<45xf32> to vector<45x1xf32>
    %div3A_287 = vector.broadcast %broadcast_in_dim3A_286 : vector<45x1xf32> to vector<45x4096xf32>
    %div3A_288 = arith.divf %exp3A_283, %div3A_287 : vector<45x4096xf32>
    %dot_general3A_289 = arith.constant dense<0.000000e+00> : vector<45x45xf32>
    %dot_general3A_290 = tpu.matmul %div3A_288, %get3A_260, %dot_general3A_289 {dimension_numbers = #tpu.dot_dimension_numbers<[1], [0], [0], [1], [0, 0, 1, 1], [], []>, transpose_lhs_hint = false} : vector<45x4096xf32>, vector<4096x45xf32>, vector<45x45xf32> -> vector<45x45xf32>
    %get3A_291 = arith.constant 0 : index
    %get3A_292 = vector.load %arg2[%get3A_291] : memref<45xf32, #tpu.memory_space<vmem>>, vector<45xf32>
    %get3A_293 = arith.constant 0 : index
    %get3A_294 = vector.load %arg3[%get3A_293] : memref<45xf32, #tpu.memory_space<vmem>>, vector<45xf32>
    %reduce_sum3A_295 = arith.constant dense<0.000000e+00> : vector<45xf32>
    %reduce_sum3A_296 = vector.multi_reduction <add>, %dot_general3A_290, %reduce_sum3A_295 [1] : vector<45x45xf32> to vector<45xf32>
    %broadcast_in_dim3A_297 = vector.shape_cast %reduce_sum3A_296 : vector<45xf32> to vector<45x1xf32>
    %div3A_298 = arith.constant 4.500000e+01 : f32
    %div3A_299 = vector.broadcast %div3A_298 : f32 to vector<45x1xf32>
    %div3A_300 = arith.divf %broadcast_in_dim3A_297, %div3A_299 : vector<45x1xf32>
    %sub3A_301 = vector.broadcast %div3A_300 : vector<45x1xf32> to vector<45x45xf32>
    %sub3A_302 = arith.subf %dot_general3A_290, %sub3A_301 : vector<45x45xf32>
    %integer_pow3A_303 = arith.mulf %sub3A_302, %sub3A_302 : vector<45x45xf32>
    %reduce_sum3A_304 = arith.constant dense<0.000000e+00> : vector<45xf32>
    %reduce_sum3A_305 = vector.multi_reduction <add>, %integer_pow3A_303, %reduce_sum3A_304 [1] : vector<45x45xf32> to vector<45xf32>
    %broadcast_in_dim3A_306 = vector.shape_cast %reduce_sum3A_305 : vector<45xf32> to vector<45x1xf32>
    %div3A_307 = arith.constant 4.500000e+01 : f32
    %div3A_308 = vector.broadcast %div3A_307 : f32 to vector<45x1xf32>
    %div3A_309 = arith.divf %broadcast_in_dim3A_306, %div3A_308 : vector<45x1xf32>
    %sub3A_310 = vector.broadcast %div3A_300 : vector<45x1xf32> to vector<45x45xf32>
    %sub3A_311 = arith.subf %dot_general3A_290, %sub3A_310 : vector<45x45xf32>
    %broadcast_in_dim3A_312 = vector.shape_cast %get3A_292 : vector<45xf32> to vector<1x45xf32>
    %mul3A_313 = vector.broadcast %broadcast_in_dim3A_312 : vector<1x45xf32> to vector<45x45xf32>
    %mul3A_314 = arith.mulf %mul3A_313, %sub3A_311 : vector<45x45xf32>
    %add3A_315 = arith.constant 9.99999996E-13 : f32
    %add3A_316 = vector.broadcast %add3A_315 : f32 to vector<45x1xf32>
    %add3A_317 = arith.addf %div3A_309, %add3A_316 : vector<45x1xf32>
    %sqrt3A_318 = math.sqrt %add3A_317 : vector<45x1xf32>
    %div3A_319 = vector.broadcast %sqrt3A_318 : vector<45x1xf32> to vector<45x45xf32>
    %div3A_320 = arith.divf %mul3A_314, %div3A_319 : vector<45x45xf32>
    %broadcast_in_dim3A_321 = vector.shape_cast %get3A_294 : vector<45xf32> to vector<1x45xf32>
    %add3A_322 = vector.broadcast %broadcast_in_dim3A_321 : vector<1x45xf32> to vector<45x45xf32>
    %add3A_323 = arith.addf %div3A_320, %add3A_322 : vector<45x45xf32>
    %get3A_324 = arith.constant 0 : index
    %get3A_325 = arith.constant 0 : index
    %get3A_326 = vector.load %arg6[%get3A_324, %get3A_325] : memref<45x128xf32, #tpu.memory_space<vmem>>, vector<45x128xf32>
    %dot_general3A_327 = arith.constant dense<0.000000e+00> : vector<45x128xf32>
    %dot_general3A_328 = tpu.matmul %add3A_323, %get3A_326, %dot_general3A_327 {dimension_numbers = #tpu.dot_dimension_numbers<[0], [0], [1], [1], [0, 1, 1, 1], [], []>, transpose_lhs_hint = false} : vector<45x45xf32>, vector<45x128xf32>, vector<45x128xf32> -> vector<45x128xf32>
    %get3A_329 = arith.constant 0 : index
    %get3A_330 = vector.load %arg7[%get3A_329] : memref<128xf32, #tpu.memory_space<vmem>>, vector<128xf32>
    %broadcast_in_dim3A_331 = vector.shape_cast %get3A_330 : vector<128xf32> to vector<1x128xf32>
    %add3A_332 = vector.broadcast %broadcast_in_dim3A_331 : vector<1x128xf32> to vector<45x128xf32>
    %add3A_333 = arith.addf %dot_general3A_328, %add3A_332 : vector<45x128xf32>
    %max3A_334 = arith.constant 0.000000e+00 : f32
    %max3A_335 = vector.broadcast %max3A_334 : f32 to vector<45x128xf32>
    %max3A_336 = arith.maximumf %add3A_333, %max3A_335 : vector<45x128xf32>
    %get3A_337 = arith.constant 0 : index
    %get3A_338 = arith.constant 0 : index
    %get3A_339 = vector.load %arg8[%get3A_337, %get3A_338] : memref<128x45xf32, #tpu.memory_space<vmem>>, vector<128x45xf32>
    %dot_general3A_340 = arith.constant dense<0.000000e+00> : vector<45x45xf32>
    %dot_general3A_341 = tpu.matmul %get3A_339, %max3A_336, %dot_general3A_340 {dimension_numbers = #tpu.dot_dimension_numbers<[0], [1], [1], [0], [0, 1, 1, 0], [], []>, transpose_lhs_hint = false} : vector<128x45xf32>, vector<45x128xf32>, vector<45x45xf32> -> vector<45x45xf32>
    %get3A_342 = arith.constant 0 : index
    %get3A_343 = vector.load %arg9[%get3A_342] : memref<45xf32, #tpu.memory_space<vmem>>, vector<45xf32>
    %reshape3A_344 = vector.shape_cast %get3A_343 : vector<45xf32> to vector<45x1xf32>
    %add3A_345 = vector.broadcast %reshape3A_344 : vector<45x1xf32> to vector<45x45xf32>
    %add3A_346 = arith.addf %dot_general3A_341, %add3A_345 : vector<45x45xf32>
    %get3A_347 = arith.constant 0 : index
    %get3A_348 = vector.load %arg4[%get3A_347] : memref<45xf32, #tpu.memory_space<vmem>>, vector<45xf32>
    %get3A_349 = arith.constant 0 : index
    %get3A_350 = vector.load %arg5[%get3A_349] : memref<45xf32, #tpu.memory_space<vmem>>, vector<45xf32>
    %reduce_sum3A_351 = arith.constant dense<0.000000e+00> : vector<45xf32>
    %reduce_sum3A_352 = vector.multi_reduction <add>, %add3A_346, %reduce_sum3A_351 [1] : vector<45x45xf32> to vector<45xf32>
    %broadcast_in_dim3A_353 = vector.shape_cast %reduce_sum3A_352 : vector<45xf32> to vector<45x1xf32>
    %div3A_354 = arith.constant 4.500000e+01 : f32
    %div3A_355 = vector.broadcast %div3A_354 : f32 to vector<45x1xf32>
    %div3A_356 = arith.divf %broadcast_in_dim3A_353, %div3A_355 : vector<45x1xf32>
    %sub3A_357 = vector.broadcast %div3A_356 : vector<45x1xf32> to vector<45x45xf32>
    %sub3A_358 = arith.subf %add3A_346, %sub3A_357 : vector<45x45xf32>
    %integer_pow3A_359 = arith.mulf %sub3A_358, %sub3A_358 : vector<45x45xf32>
    %reduce_sum3A_360 = arith.constant dense<0.000000e+00> : vector<45xf32>
    %reduce_sum3A_361 = vector.multi_reduction <add>, %integer_pow3A_359, %reduce_sum3A_360 [1] : vector<45x45xf32> to vector<45xf32>
    %broadcast_in_dim3A_362 = vector.shape_cast %reduce_sum3A_361 : vector<45xf32> to vector<45x1xf32>
    %div3A_363 = arith.constant 4.500000e+01 : f32
    %div3A_364 = vector.broadcast %div3A_363 : f32 to vector<45x1xf32>
    %div3A_365 = arith.divf %broadcast_in_dim3A_362, %div3A_364 : vector<45x1xf32>
    %sub3A_366 = vector.broadcast %div3A_356 : vector<45x1xf32> to vector<45x45xf32>
    %sub3A_367 = arith.subf %add3A_346, %sub3A_366 : vector<45x45xf32>
    %broadcast_in_dim3A_368 = vector.shape_cast %get3A_348 : vector<45xf32> to vector<1x45xf32>
    %mul3A_369 = vector.broadcast %broadcast_in_dim3A_368 : vector<1x45xf32> to vector<45x45xf32>
    %mul3A_370 = arith.mulf %mul3A_369, %sub3A_367 : vector<45x45xf32>
    %add3A_371 = arith.constant 9.99999996E-13 : f32
    %add3A_372 = vector.broadcast %add3A_371 : f32 to vector<45x1xf32>
    %add3A_373 = arith.addf %div3A_365, %add3A_372 : vector<45x1xf32>
    %sqrt3A_374 = math.sqrt %add3A_373 : vector<45x1xf32>
    %div3A_375 = vector.broadcast %sqrt3A_374 : vector<45x1xf32> to vector<45x45xf32>
    %div3A_376 = arith.divf %mul3A_370, %div3A_375 : vector<45x45xf32>
    %broadcast_in_dim3A_377 = vector.shape_cast %get3A_350 : vector<45xf32> to vector<1x45xf32>
    %add3A_378 = vector.broadcast %broadcast_in_dim3A_377 : vector<1x45xf32> to vector<45x45xf32>
    %add3A_379 = arith.addf %div3A_376, %add3A_378 : vector<45x45xf32>
    %swap3A_380 = arith.constant 2 : index
    %swap3A_381 = arith.constant 0 : index
    %swap3A_382 = arith.constant 0 : index
    %swap3A_383 = vector.load %arg10[%swap3A_380, %swap3A_381, %swap3A_382] : memref<4x45x45xf32, #tpu.memory_space<vmem>>, vector<1x45x45xf32>
    %swap3A_384 = vector.shape_cast %swap3A_383 : vector<1x45x45xf32> to vector<45x45xf32>
    %swap3A_385 = vector.shape_cast %add3A_379 : vector<45x45xf32> to vector<1x45x45xf32>
    tpu.vector_store %arg10[%swap3A_380, %swap3A_381, %swap3A_382], %swap3A_385 {strides = array<i32>} : memref<4x45x45xf32, #tpu.memory_space<vmem>>, vector<1x45x45xf32>,
    %get3A_386 = arith.constant 3 : index
    %get3A_387 = arith.constant 0 : index
    %get3A_388 = arith.constant 0 : index
    %get3A_389 = vector.load %arg0[%get3A_386, %get3A_387, %get3A_388] : memref<4x4096x45xf32, #tpu.memory_space<vmem>>, vector<1x4096x45xf32>
    %get3A_390 = vector.shape_cast %get3A_389 : vector<1x4096x45xf32> to vector<4096x45xf32>
    %slice3A_391 = vector.extract_strided_slice %get3A_12 {offsets = [0, 3, 0], sizes = [45, 1, 1], strides = [1, 1, 1]} : vector<45x4x1xi32> to vector<45x1x1xi32>
    %reshape3A_392 = vector.shape_cast %slice3A_391 : vector<45x1x1xi32> to vector<45x1xi32>
    %eq3A_393 = vector.broadcast %reshape3A_392 : vector<45x1xi32> to vector<45x4096xi32>
    %eq3A_394 = vector.broadcast %iota3A_4 : vector<1x4096xi32> to vector<45x4096xi32>
    %eq3A_395 = arith.cmpi eq, %eq3A_393, %eq3A_394 : vector<45x4096xi32>
    %jit3A_396 = arith.constant 1.000000e+00 : f32
    %jit3A_397 = arith.constant 0.000000e+00 : f32
    %broadcast_in_dim3A_398 = vector.broadcast %jit3A_396 : f32 to vector<45x4096xf32>
    %broadcast_in_dim3A_399 = vector.broadcast %jit3A_397 : f32 to vector<45x4096xf32>
    %select_n3A_400 = arith.select %eq3A_395, %broadcast_in_dim3A_398, %broadcast_in_dim3A_399 : vector<45x4096xi1>, vector<45x4096xf32>
    %dot_general3A_401 = arith.constant dense<0.000000e+00> : vector<45x45xf32>
    %dot_general3A_402 = tpu.matmul %select_n3A_400, %get3A_390, %dot_general3A_401 {dimension_numbers = #tpu.dot_dimension_numbers<[1], [0], [0], [1], [0, 0, 1, 1], [], []>, transpose_lhs_hint = false} : vector<45x4096xf32>, vector<4096x45xf32>, vector<45x45xf32> -> vector<45x45xf32>
    %dot_general3A_403 = arith.constant dense<0.000000e+00> : vector<45x4096xf32>
    %dot_general3A_404 = tpu.matmul %dot_general3A_402, %get3A_390, %dot_general3A_403 {dimension_numbers = #tpu.dot_dimension_numbers<[1], [1], [0], [0], [0, 0, 1, 0], [], []>, transpose_lhs_hint = false} : vector<45x45xf32>, vector<4096x45xf32>, vector<45x4096xf32> -> vector<45x4096xf32>
    %mul3A_405 = arith.constant 0.149071202 : f32
    %mul3A_406 = vector.broadcast %mul3A_405 : f32 to vector<45x4096xf32>
    %mul3A_407 = arith.mulf %dot_general3A_404, %mul3A_406 : vector<45x4096xf32>
    %reduce_max3A_408 = arith.constant dense<0xFF800000> : vector<45xf32>
    %reduce_max3A_409 = vector.multi_reduction <maximumf>, %mul3A_407, %reduce_max3A_408 [1] : vector<45x4096xf32> to vector<45xf32>
    %broadcast_in_dim3A_410 = vector.shape_cast %reduce_max3A_409 : vector<45xf32> to vector<45x1xf32>
    %sub3A_411 = vector.broadcast %broadcast_in_dim3A_410 : vector<45x1xf32> to vector<45x4096xf32>
    %sub3A_412 = arith.subf %mul3A_407, %sub3A_411 : vector<45x4096xf32>
    %exp3A_413 = math.exp %sub3A_412 : vector<45x4096xf32>
    %reduce_sum3A_414 = arith.constant dense<0.000000e+00> : vector<45xf32>
    %reduce_sum3A_415 = vector.multi_reduction <add>, %exp3A_413, %reduce_sum3A_414 [1] : vector<45x4096xf32> to vector<45xf32>
    %broadcast_in_dim3A_416 = vector.shape_cast %reduce_sum3A_415 : vector<45xf32> to vector<45x1xf32>
    %div3A_417 = vector.broadcast %broadcast_in_dim3A_416 : vector<45x1xf32> to vector<45x4096xf32>
    %div3A_418 = arith.divf %exp3A_413, %div3A_417 : vector<45x4096xf32>
    %dot_general3A_419 = arith.constant dense<0.000000e+00> : vector<45x45xf32>
    %dot_general3A_420 = tpu.matmul %div3A_418, %get3A_390, %dot_general3A_419 {dimension_numbers = #tpu.dot_dimension_numbers<[1], [0], [0], [1], [0, 0, 1, 1], [], []>, transpose_lhs_hint = false} : vector<45x4096xf32>, vector<4096x45xf32>, vector<45x45xf32> -> vector<45x45xf32>
    %get3A_421 = arith.constant 0 : index
    %get3A_422 = vector.load %arg2[%get3A_421] : memref<45xf32, #tpu.memory_space<vmem>>, vector<45xf32>
    %get3A_423 = arith.constant 0 : index
    %get3A_424 = vector.load %arg3[%get3A_423] : memref<45xf32, #tpu.memory_space<vmem>>, vector<45xf32>
    %reduce_sum3A_425 = arith.constant dense<0.000000e+00> : vector<45xf32>
    %reduce_sum3A_426 = vector.multi_reduction <add>, %dot_general3A_420, %reduce_sum3A_425 [1] : vector<45x45xf32> to vector<45xf32>
    %broadcast_in_dim3A_427 = vector.shape_cast %reduce_sum3A_426 : vector<45xf32> to vector<45x1xf32>
    %div3A_428 = arith.constant 4.500000e+01 : f32
    %div3A_429 = vector.broadcast %div3A_428 : f32 to vector<45x1xf32>
    %div3A_430 = arith.divf %broadcast_in_dim3A_427, %div3A_429 : vector<45x1xf32>
    %sub3A_431 = vector.broadcast %div3A_430 : vector<45x1xf32> to vector<45x45xf32>
    %sub3A_432 = arith.subf %dot_general3A_420, %sub3A_431 : vector<45x45xf32>
    %integer_pow3A_433 = arith.mulf %sub3A_432, %sub3A_432 : vector<45x45xf32>
    %reduce_sum3A_434 = arith.constant dense<0.000000e+00> : vector<45xf32>
    %reduce_sum3A_435 = vector.multi_reduction <add>, %integer_pow3A_433, %reduce_sum3A_434 [1] : vector<45x45xf32> to vector<45xf32>
    %broadcast_in_dim3A_436 = vector.shape_cast %reduce_sum3A_435 : vector<45xf32> to vector<45x1xf32>
    %div3A_437 = arith.constant 4.500000e+01 : f32
    %div3A_438 = vector.broadcast %div3A_437 : f32 to vector<45x1xf32>
    %div3A_439 = arith.divf %broadcast_in_dim3A_436, %div3A_438 : vector<45x1xf32>
    %sub3A_440 = vector.broadcast %div3A_430 : vector<45x1xf32> to vector<45x45xf32>
    %sub3A_441 = arith.subf %dot_general3A_420, %sub3A_440 : vector<45x45xf32>
    %broadcast_in_dim3A_442 = vector.shape_cast %get3A_422 : vector<45xf32> to vector<1x45xf32>
    %mul3A_443 = vector.broadcast %broadcast_in_dim3A_442 : vector<1x45xf32> to vector<45x45xf32>
    %mul3A_444 = arith.mulf %mul3A_443, %sub3A_441 : vector<45x45xf32>
    %add3A_445 = arith.constant 9.99999996E-13 : f32
    %add3A_446 = vector.broadcast %add3A_445 : f32 to vector<45x1xf32>
    %add3A_447 = arith.addf %div3A_439, %add3A_446 : vector<45x1xf32>
    %sqrt3A_448 = math.sqrt %add3A_447 : vector<45x1xf32>
    %div3A_449 = vector.broadcast %sqrt3A_448 : vector<45x1xf32> to vector<45x45xf32>
    %div3A_450 = arith.divf %mul3A_444, %div3A_449 : vector<45x45xf32>
    %broadcast_in_dim3A_451 = vector.shape_cast %get3A_424 : vector<45xf32> to vector<1x45xf32>
    %add3A_452 = vector.broadcast %broadcast_in_dim3A_451 : vector<1x45xf32> to vector<45x45xf32>
    %add3A_453 = arith.addf %div3A_450, %add3A_452 : vector<45x45xf32>
    %get3A_454 = arith.constant 0 : index
    %get3A_455 = arith.constant 0 : index
    %get3A_456 = vector.load %arg6[%get3A_454, %get3A_455] : memref<45x128xf32, #tpu.memory_space<vmem>>, vector<45x128xf32>
    %dot_general3A_457 = arith.constant dense<0.000000e+00> : vector<45x128xf32>
    %dot_general3A_458 = tpu.matmul %add3A_453, %get3A_456, %dot_general3A_457 {dimension_numbers = #tpu.dot_dimension_numbers<[0], [0], [1], [1], [0, 1, 1, 1], [], []>, transpose_lhs_hint = false} : vector<45x45xf32>, vector<45x128xf32>, vector<45x128xf32> -> vector<45x128xf32>
    %get3A_459 = arith.constant 0 : index
    %get3A_460 = vector.load %arg7[%get3A_459] : memref<128xf32, #tpu.memory_space<vmem>>, vector<128xf32>
    %broadcast_in_dim3A_461 = vector.shape_cast %get3A_460 : vector<128xf32> to vector<1x128xf32>
    %add3A_462 = vector.broadcast %broadcast_in_dim3A_461 : vector<1x128xf32> to vector<45x128xf32>
    %add3A_463 = arith.addf %dot_general3A_458, %add3A_462 : vector<45x128xf32>
    %max3A_464 = arith.constant 0.000000e+00 : f32
    %max3A_465 = vector.broadcast %max3A_464 : f32 to vector<45x128xf32>
    %max3A_466 = arith.maximumf %add3A_463, %max3A_465 : vector<45x128xf32>
    %get3A_467 = arith.constant 0 : index
    %get3A_468 = arith.constant 0 : index
    %get3A_469 = vector.load %arg8[%get3A_467, %get3A_468] : memref<128x45xf32, #tpu.memory_space<vmem>>, vector<128x45xf32>
    %dot_general3A_470 = arith.constant dense<0.000000e+00> : vector<45x45xf32>
    %dot_general3A_471 = tpu.matmul %get3A_469, %max3A_466, %dot_general3A_470 {dimension_numbers = #tpu.dot_dimension_numbers<[0], [1], [1], [0], [0, 1, 1, 0], [], []>, transpose_lhs_hint = false} : vector<128x45xf32>, vector<45x128xf32>, vector<45x45xf32> -> vector<45x45xf32>
    %get3A_472 = arith.constant 0 : index
    %get3A_473 = vector.load %arg9[%get3A_472] : memref<45xf32, #tpu.memory_space<vmem>>, vector<45xf32>
    %reshape3A_474 = vector.shape_cast %get3A_473 : vector<45xf32> to vector<45x1xf32>
    %add3A_475 = vector.broadcast %reshape3A_474 : vector<45x1xf32> to vector<45x45xf32>
    %add3A_476 = arith.addf %dot_general3A_471, %add3A_475 : vector<45x45xf32>
    %get3A_477 = arith.constant 0 : index
    %get3A_478 = vector.load %arg4[%get3A_477] : memref<45xf32, #tpu.memory_space<vmem>>, vector<45xf32>
    %get3A_479 = arith.constant 0 : index
    %get3A_480 = vector.load %arg5[%get3A_479] : memref<45xf32, #tpu.memory_space<vmem>>, vector<45xf32>
    %reduce_sum3A_481 = arith.constant dense<0.000000e+00> : vector<45xf32>
    %reduce_sum3A_482 = vector.multi_reduction <add>, %add3A_476, %reduce_sum3A_481 [1] : vector<45x45xf32> to vector<45xf32>
    %broadcast_in_dim3A_483 = vector.shape_cast %reduce_sum3A_482 : vector<45xf32> to vector<45x1xf32>
    %div3A_484 = arith.constant 4.500000e+01 : f32
    %div3A_485 = vector.broadcast %div3A_484 : f32 to vector<45x1xf32>
    %div3A_486 = arith.divf %broadcast_in_dim3A_483, %div3A_485 : vector<45x1xf32>
    %sub3A_487 = vector.broadcast %div3A_486 : vector<45x1xf32> to vector<45x45xf32>
    %sub3A_488 = arith.subf %add3A_476, %sub3A_487 : vector<45x45xf32>
    %integer_pow3A_489 = arith.mulf %sub3A_488, %sub3A_488 : vector<45x45xf32>
    %reduce_sum3A_490 = arith.constant dense<0.000000e+00> : vector<45xf32>
    %reduce_sum3A_491 = vector.multi_reduction <add>, %integer_pow3A_489, %reduce_sum3A_490 [1] : vector<45x45xf32> to vector<45xf32>
    %broadcast_in_dim3A_492 = vector.shape_cast %reduce_sum3A_491 : vector<45xf32> to vector<45x1xf32>
    %div3A_493 = arith.constant 4.500000e+01 : f32
    %div3A_494 = vector.broadcast %div3A_493 : f32 to vector<45x1xf32>
    %div3A_495 = arith.divf %broadcast_in_dim3A_492, %div3A_494 : vector<45x1xf32>
    %sub3A_496 = vector.broadcast %div3A_486 : vector<45x1xf32> to vector<45x45xf32>
    %sub3A_497 = arith.subf %add3A_476, %sub3A_496 : vector<45x45xf32>
    %broadcast_in_dim3A_498 = vector.shape_cast %get3A_478 : vector<45xf32> to vector<1x45xf32>
    %mul3A_499 = vector.broadcast %broadcast_in_dim3A_498 : vector<1x45xf32> to vector<45x45xf32>
    %mul3A_500 = arith.mulf %mul3A_499, %sub3A_497 : vector<45x45xf32>
    %add3A_501 = arith.constant 9.99999996E-13 : f32
    %add3A_502 = vector.broadcast %add3A_501 : f32 to vector<45x1xf32>
    %add3A_503 = arith.addf %div3A_495, %add3A_502 : vector<45x1xf32>
    %sqrt3A_504 = math.sqrt %add3A_503 : vector<45x1xf32>
    %div3A_505 = vector.broadcast %sqrt3A_504 : vector<45x1xf32> to vector<45x45xf32>
    %div3A_506 = arith.divf %mul3A_500, %div3A_505 : vector<45x45xf32>
    %broadcast_in_dim3A_507 = vector.shape_cast %get3A_480 : vector<45xf32> to vector<1x45xf32>
    %add3A_508 = vector.broadcast %broadcast_in_dim3A_507 : vector<1x45xf32> to vector<45x45xf32>
    %add3A_509 = arith.addf %div3A_506, %add3A_508 : vector<45x45xf32>
    %swap3A_510 = arith.constant 3 : index
    %swap3A_511 = arith.constant 0 : index
    %swap3A_512 = arith.constant 0 : index
    %swap3A_513 = vector.load %arg10[%swap3A_510, %swap3A_511, %swap3A_512] : memref<4x45x45xf32, #tpu.memory_space<vmem>>, vector<1x45x45xf32>
    %swap3A_514 = vector.shape_cast %swap3A_513 : vector<1x45x45xf32> to vector<45x45xf32>
    %swap3A_515 = vector.shape_cast %add3A_509 : vector<45x45xf32> to vector<1x45x45xf32>
    tpu.vector_store %arg10[%swap3A_510, %swap3A_511, %swap3A_512], %swap3A_515 {strides = array<i32>} : memref<4x45x45xf32, #tpu.memory_space<vmem>>, vector<1x45x45xf32>,
    return
  }
}

</mosaic_0001>

<sc_bundles>
// kernel: kernel.5.cloned.1.call-start
scs
__scs_entry_jumppad:
0x0: {  	(pc) =	sbr.rel $0x88, $3  }
0x1: {  	(tag) =	ssettag $0x0;
	lr =	simm.s32 $0x1  }
0x2: {  	[smem:$0x3F97] =	sst lr;
	_ =	strace $0xD0000000  }
0x3: {  	_ = 	snop  }
0x4: {  	_ = 	snop  }
0x5: {  	_ = 	snop  }
0x6: {  	_ = 	snop  }
0x7: {  	_ = 	snop  }
__scs_overlays_trampoline_lowered:
0x8: {  	[smem:$0x3FA6] =	sst s0  }
0x9: {  	[smem:$0x3FA7] =	sst s1  }
0xa: {  	[smem:$0x3FA8] =	sst s2  }
0xb: {  	[smem:$0x3FA9] =	sst s3  }
0xc: {  	[smem:$0x3FAA] =	sst s4  }
0xd: {  	[smem:$0x3FAB] =	sst s5  }
0xe: {  	[smem:$0x3FAC] =	sst s6  }
0xf: {  	[smem:$0x3FAD] =	sst s7  }
0x10: {  	[smem:$0x3FAE] =	sst s8  }
0x11: {  	[smem:$0x3FAF] =	sst s9;
	s0 =	simm.s32 @!p0 $0x0  }
0x12: {  	s1 =	sld [smem:$0x3F95];
	s0 =	simm.s32 @p0 $0x1  }
0x13: {  	[smem:$0x3FB0] =	sst s0;
	s0 =	simm.s32 @!p1 $0x0  }
0x14: {  	s2 =	sld [smem:$0x3F94];
	s0 =	simm.s32 @p1 $0x1  }
0x15: {  	[smem:$0x3FB1] =	sst s0;
	s0 =	simm.s32 @!p2 $0x0  }
0x16: {  	s3 =	sld [smem:$0x3FDB];
	s0 =	simm.s32 @p2 $0x1  }
0x17: {  	s4 =	simm.s32 $0x1BF5;
	[smem:$0x3FB3] =	sst s0  }
0x18: {  	s0 =	sld [smem:$0x3F96];
	_ =	swait.ge [sflag:s4], $0x0  }
0x19: {  	s7 =	sld [smem:$0x3F97]  }
0x1a: {  	s8 =	sadd.s32 $0xFFFFE003, lr  }
0x1b: {  	s9 =	sadd.s32 $0xFFFFFEF7, lr;
	s5 =	simm.s32 $0xFFFFFFFF;
	p2 =	slt.u32 s8, $0xFFFFF086  }
0x1c: {  	p1 =	slt.u32 s9, $0xF7A;
	s5 =	simm.s32 @!p2 $0x0  }
0x1d: {  	s5 =	simm.s32 @p1 $0x1;
	p0 =	seq.s32 s7, s2  }
0x1e: {  	s7 =	smul.u32 @!p0 $0xF7A, s2;
	p2 =	seq.s32 @!p0 s5, $0x0  }
0x1f: {  	s9 =	smul.u32 $0xF7A, s1;
	s8 =	simm.s32 @!p0 $0x1BF5;
	p2 =	por !p2, p0  }
0x20: {  	[sflag:s8] =	ssyncset.s32 @!p0 $0xFFFFF086;
	s6 =	sadd.s32 @!p0 s3, s7;
	s7 =	simm.s32 @!p0 $0x108  }
0x21: {  	s3 =	sadd.s32 s3, s9;
	s6 =	sadd.s32 @!p0 $0x88, s6;
	s7 =	simm.s32 @p2 $0x1082  }
0x22: {  	[simem:s7], [sflag:s8] =	dma.local @!p0 [hbm:s6], $0xF7A  }
0x23: {  	s9 =	sor.u32 $0xD0000000, s2;
	s6 =	simm.s32 $0x108;
	_ =	swait.ge @!p0 [sflag:s8], $0x0  }
0x24: {  	s3 =	sadd.s32 $0x88, s3;
	s6 =	simm.s32 @!p1 $0x1082;
	[sflag:s4] =	ssyncset.s32 $0xFFFFF086  }
0x25: {  	[simem:s6], [sflag:s4] =	dma.local [hbm:s3], $0xF7A  }
0x26: {  	[smem:$0x3F97] =	sst s1;
	(tag) =	ssettag s2;
	_ =	strace s9  }
0x27: {  	s1 =	sld [smem:$0x3FA7]  }
0x28: {  	s2 =	sld [smem:$0x3FA8]  }
0x29: {  	s4 =	sld [smem:$0x3FAA]  }
0x2a: {  	p0 =	seq.s32 s5, $0x0;
	s5 =	sld [smem:$0x3FAB]  }
0x2b: {  	s6 =	sld [smem:$0x3FAC]  }
0x2c: {  	s7 =	sld [smem:$0x3FAD]  }
0x2d: {  	s3 =	simm.s32 $0x108;
	s8 =	sld [smem:$0x3FAE]  }
0x2e: {  	s3 =	simm.s32 @!p0 $0x1082;
	s9 =	sld [smem:$0x3FAF]  }
0x2f: {  	lr =	sadd.s32 s0, s3;
	s0 =	sld [smem:$0x3FA6]  }
0x30: {  	s3 =	sld [smem:$0x3FA9]  }
0x31: {  	[smem:$0x3FB2] =	sst s10  }
0x32: {  	s10 =	sld [smem:$0x3FB0];
	_ =	sdelay $0x3  }
0x33: {  	p0 =	seq.s32 s10, $0x1;
	s10 =	sld [smem:$0x3FB2];
	_ =	sdelay $0x3  }
0x34: {  	[smem:$0x3FB2] =	sst s10  }
0x35: {  	s10 =	sld [smem:$0x3FB1];
	_ =	sdelay $0x3  }
0x36: {  	p1 =	seq.s32 s10, $0x1;
	s10 =	sld [smem:$0x3FB2];
	_ =	sdelay $0x3  }
0x37: {  	[smem:$0x3FB2] =	sst s10  }
0x38: {  	s10 =	sld [smem:$0x3FB3]  }
0x39: {  	_ = 	snop;
	(pc) =	sbr.ind lr, $3  }
0x3a: {  	_ = 	snop  }
0x3b: {  	_ = 	snop  }
0x3c: {  	p2 =	seq.s32 s10, $0x1;
	s10 =	sld [smem:$0x3FB2]  }
0x3d: {  	_ =	shalt  }
0x3e: {  	_ =	shalt  }
0x3f: {  	_ =	shalt  }
0x40: {  	_ =	shalt  }
0x41: {  	_ =	shalt  }
0x42: {  	_ =	shalt  }
0x43: {  	_ =	shalt  }
0x44: {  	_ =	shalt  }
0x45: {  	_ =	shalt  }
0x46: {  	_ =	shalt  }
0x47: {  	_ =	shalt  }
0x48: {  	_ =	shalt  }
0x49: {  	_ =	shalt  }
0x4a: {  	_ =	shalt  }
0x4b: {  	_ =	shalt  }
0x4c: {  	_ =	shalt  }
0x4d: {  	_ =	shalt  }
0x4e: {  	_ =	shalt  }
0x4f: {  	_ =	shalt  }
0x50: {  	_ =	shalt  }
0x51: {  	_ =	shalt  }
0x52: {  	_ =	shalt  }
0x53: {  	_ =	shalt  }
0x54: {  	_ =	shalt  }
0x55: {  	_ =	shalt  }
0x56: {  	_ =	shalt  }
0x57: {  	_ =	shalt  }
0x58: {  	_ =	shalt  }
0x59: {  	_ =	shalt  }
0x5a: {  	_ =	shalt  }
0x5b: {  	_ =	shalt  }
0x5c: {  	_ =	shalt  }
0x5d: {  	_ =	shalt  }
0x5e: {  	_ =	shalt  }
0x5f: {  	_ =	shalt  }
0x60: {  	_ =	shalt  }
0x61: {  	_ =	shalt  }
0x62: {  	_ =	shalt  }
0x63: {  	_ =	shalt  }
0x64: {  	_ =	shalt  }
0x65: {  	_ =	shalt  }
0x66: {  	_ =	shalt  }
0x67: {  	_ =	shalt  }
0x68: {  	_ =	shalt  }
0x69: {  	_ =	shalt  }
0x6a: {  	_ =	shalt  }
0x6b: {  	_ =	shalt  }
0x6c: {  	_ =	shalt  }
0x6d: {  	_ =	shalt  }
0x6e: {  	_ =	shalt  }
0x6f: {  	_ =	shalt  }
0x70: {  	_ =	shalt  }
0x71: {  	_ =	shalt  }
0x72: {  	_ =	shalt  }
0x73: {  	_ =	shalt  }
0x74: {  	_ =	shalt  }
0x75: {  	_ =	shalt  }
0x76: {  	_ =	shalt  }
0x77: {  	_ =	shalt  }
0x78: {  	_ =	shalt  }
0x79: {  	_ =	shalt  }
0x7a: {  	_ =	shalt  }
0x7b: {  	_ =	shalt  }
0x7c: {  	_ =	shalt  }
0x7d: {  	_ =	shalt  }
0x7e: {  	_ =	shalt  }
0x7f: {  	_ =	shalt  }
0x80: {  	_ =	shalt  }
0x81: {  	_ =	shalt  }
0x82: {  	_ =	shalt  }
0x83: {  	_ =	shalt  }
0x84: {  	_ =	shalt  }
0x85: {  	_ =	shalt  }
0x86: {  	_ =	shalt  }
0x87: {  	_ =	shalt  }
.Lfunc_end0:
.L_simem_size_0:
called_computation_lowered:
.L_overlay_start_0:
0x88: {  	s2 =	sld [smem:$0x3FD9]  }
0x89: {  	s3 =	sld [smem:$0x3FFE];
	_ =	sdelay $0x1  }
0x8a: {  	s1 =	srdreg.scid  }
0x8b: {  	s0 =	sand.u32 $0x1, s1  }
0x8c: {  	s17 =	sshll.u32 s0, $0xA;
	s2 =	sadd.s32 s3, s2  }
0x8d: {  	s2 =	sadd.s32 s2, s17  }
0x8e: {  	[smem:$0x3FBE] =	sst s2  }
0x8f: {  	_ = 	snop  }
0x90: {  	s2 =	sld [smem:$0x3FC0];
	(tm) =	ssettm $0x1  }
0x91: {  	s18 =	sld [smem:$0x3FFB];
	_ =	sdelay $0x3  }
0x92: {  	_ =	strace s18  }
0x93: {  	s3 =	sld [smem:$0x3FFC];
	_ =	sdelay $0x3  }
0x94: {  	_ =	strace s3  }
0x95: {  	s3 =	sld [smem:$0x3FFD];
	_ =	sdelay $0x3  }
0x96: {  	_ =	strace s3  }
0x97: {  	_ =	strace $0x8FFFFFFF  }
0x98: {  	s19 =	sld [smem:$0x3FDB];
	_ =	sdelay $0x1  }
0x99: {  	s4 =	simm.s32 $_scs_section_size  }
0x9a: {  	s5 =	simm.s32 $_size__tile_overlayer_lowered;
	s6 =	simm.s32 $_tile_overlayer_lowered  }
0x9b: {  	s22 =	simm.s32 $0x1BFF;
	s21 =	sshll.u32 s6, $0x1;
	s3 =	sadd.s32 s4, s19  }
0x9c: {  	s7 =	simm.s32 $0x0;
	s20 =	sshll.u32 s5, $0x1;
	s5 =	sadd.s32 s21, s3  }
0x9d: {  	[timem:s7], [sflag:s22] =	dma.local [hbm:s5], s20  }
0x9e: {  	_ =	swait.ge [sflag:s22], s20  }
0x9f: {  	s4 =	ssub.s32 $0x0, s20;
	[sflag:s22] =	ssyncset.done $0x0  }
0xa0: {  	[sflag:s22] =	ssyncadd.s32 s4;
	_ =	sdelay $0x1  }
0xa1: {  	s23 =	simm.s32 $0x1B8B  }
0xa2: {  	_ =	swait.ge [sflag:s23], $0x1  }
0xa3: {  	[sflag:s23] =	ssyncset.done $0x0  }
0xa4: {  	s25 =	simm.s32 $0x1B8E;
	s24 =	sld [smem:$0x3FFE];
	[sflag:s23] =	ssyncadd.s32 $0xFFFFFFFF  }
0xa5: {  	s26 =	simm.s32 $execute0_lowered;
	[smem:$0x3FD2] =	sst s25  }
0xa6: {  	s5 =	sshll.u32 s26, $0x1;
	_ =	strace $0x80000046;
	[dreg:$0x1] =	wrdreg $0xFFFFFFFF  }
0xa7: {  	s28 =	simm.s32 $_size_execute0_lowered;
	s3 =	sadd.s32 s3, s5;
	[dreg:$0x0] =	wrdreg $0x0  }
0xa8: {  	s5 =	sshll.u32 s28, $0x1;
	[dreg:$0x2] =	wrdreg s3  }
0xa9: {  	[dreg:$0x3] =	wrdreg s5  }
0xaa: {  	[dreg:$0x4] =	wrdreg $0xC0  }
0xab: {  	_ =	task [dreg:s7], $0x5FFFF  }
0xac: {  	[dreg:$0x1] =	wrdreg $0xFFFFFFFF  }
0xad: {  	[dreg:$0x0] =	wrdreg $0x60  }
0xae: {  	[dreg:$0x2] =	wrdreg s2  }
0xaf: {  	[dreg:$0x3] =	wrdreg s24  }
0xb0: {  	[dreg:$0x4] =	wrdreg $0x11000  }
0xb1: {  	[dreg:$0x5] =	wrdreg $0x9  }
0xb2: {  	_ =	task.clear_ibuf [dreg:s7], $0x6FFFF;
	_ =	strace $0x90000046  }
0xb3: {  	s29 =	simm.s32 $0x9;
	_ =	strace $0x80000048  }
0xb4: {  	_ =	swait.ge [sflag:s29], $0x1  }
0xb5: {  	[sflag:s29] =	ssyncadd.s32 $0xFFFFFFFF  }
0xb6: {  	_ =	strace $0x90000048  }
0xb7: {  	_ =	sfence  }
0xb8: {  	s30 =	sld [smem:$0x0];
	_ =	sdelay $0x2  }
0xb9: {  	s31 =	sshll.u32 s1, $0xD;
	s1 =	sshrl.u32 s1, $0x2  }
0xba: {  	s3 =	sand.u32 $0x4000, s31;
	s1 =	sadd.s32 s1, s30  }
0xbb: {  	s0 =	sor.u32 s3, s0;
	s1 =	sshll.u32 s1, $0x11  }
0xbc: {  	s0 =	sor.u32 s1, s0  }
0xbd: {  	s0 =	sadd.s32 $0x8F2B, s0  }
0xbe: {  	[sflag:s0] =	ssyncadd.remote.s32 $0x1  }
0xbf: {  	_ =	sfence.sel $0xFFFF  }
0xc0: {  	[dreg:$0x0] =	wrdreg $0xFFFFFFFF;
	(pc) =	sbr.abs _section_cstart, $3  }
0xc1: {  	[dreg:$0x1] =	wrdreg $0xFFFFFFFF  }
0xc2: {  	_ =	task.clear_ibuf [dreg:s7], $0x2FFFF;
	_ =	strace $0x9FFFFFFF  }
0xc3: {  	(tm) =	ssettm $0x7FFFFFFF  }
tec
execute0_lowered:
.L_overlay_start_1:
0x0: {  	(tag) =	ssettag $0x1  }
0x1: {  	s1 =	srdreg.scid  }
0x2: {  	s1 =	sand.u32 $0x1, s1  }
0x3: {  	p0 =	seq.s32 s1, $0x1  }
.Ltmp0:
0x4: {  	s4 =	rddreg [dreg:$0x0];
	(pc) =	sbr.rel @p0 .LBB2_6-.Ltmp0, $4  }
0x5: {  	s3 =	rddreg [dreg:$0x1]  }
0x6: {  	s2 =	rddreg [dreg:$0x2];
	s5 =	simm.s32 $0x0  }
0x7: {  	[smem:$0x7FF] =	sst s5  }
0x8: {  	s0 =	rddreg [dreg:$0x3];
	_ =	strace $0x80000047;
	s1 =	stileid.u32  }
0x9: {  	s5 =	sshll.u32 s1, $0x9;
	s6 =	sshll.u32 s1, $0xC;
	s7 =	sshll.u32 s1, $0x5  }
0xa: {  	s8 =	sadd.s32 s5, s3;
	s3 =	sadd.s32 s6, s2;
	s5 =	sadd.s32 s4, s7  }
0xb: {  	v0 =	vimm.f32 $0.0e+00;
	s6 =	simm.s32 $0x40;
	s7 =	simm.s32 $0x0;
	s4 =	sadd.s32 $0xE00, s8  }
.LBB2_2:
0xc: {  	p0 =	sne.s32 s6, $0x3FC0;
	[tilespmem:s7+$0x100] =	vst v0;
	s7 =	smov.u32 s6;
	s6 =	sadd.s32 $0x40, s6  }
.Ltmp1:
0xd: {  	(pc) =	sbr.rel @p0 .LBB2_2-.Ltmp1, $2  }
0xe: {  	_ =	sdelay $0x2  }
0xf: {  	s7 =	sshra.s32 s7, $0x2  }
0x10: {  	[tilespmem:s7+$0x100] =	vst v0;
	s6 =	simm.s32 $0x100;
	s30 =	simm.s32 $0x1  }
0x11: {  	[spmem:s3] =	stream.linear.scatter [tilespmem:s6], [sflag:$0x1], $0x1000, $0x38;
	[tilespmem:$0x2100] =	vst v63  }
0x12: {  	_ =	swait.ge [sflag:s30], $0x1000  }
0x13: {  	[sflag:s30] =	ssyncset.done $0x0  }
0x14: {  	s31 =	simm.s32 $0x0;
	[sflag:s30] =	ssyncadd.s32 $0xFFFFF000  }
0x15: {  	[tilespmem:s31], [sflag:$0x1] =	stream.linear.gather [hbm4b:s5+s31], $0x100, $0x38;
	[tilespmem:$0x2100] =	vst v63  }
0x16: {  	_ =	swait.ge [sflag:s30], $0x100  }
0x17: {  	[sflag:s30] =	ssyncset.done $0x0  }
0x18: {  	v0 =	vimm.f32 $1.000000000e+00;
	s6 =	simm.s32 $0x0;
	s5 =	simm.s32 $0x40;
	[sflag:s30] =	ssyncadd.s32 $0xFFFFFF00  }
.LBB2_4:
0x19: {  	p0 =	sne.s32 s5, $0x3FC0;
	[tilespmem:s6+$0x100] =	vst v0;
	s6 =	smov.u32 s5;
	s5 =	sadd.s32 $0x40, s5  }
.Ltmp2:
0x1a: {  	(pc) =	sbr.rel @p0 .LBB2_4-.Ltmp2, $2  }
0x1b: {  	_ =	sdelay $0x2  }
0x1c: {  	s6 =	sshra.s32 s6, $0x2  }
0x1d: {  	[tilespmem:s6+$0x100] =	vst v0;
	s5 =	simm.s32 $0x0  }
0x1e: {  	s29 =	simm.s32 $0x100;
	s30 =	simm.s32 $0x1;
	[bflag:$0x0] =	sbarrier.arrive $0xFFFF  }
0x1f: {  	[spmem:s2] =	stream.indirect.scatter.add.f32 [tilespmem:s29], [sflag:$0x1], $0x10, s5, s29, $0xb8;
	[tilespmem:$0x2100] =	vst v63  }
0x20: {  	_ =	swait.ge [sflag:s30], $0x1000  }
0x21: {  	[sflag:s30] =	ssyncset.done $0x0  }
0x22: {  	s31 =	sshll.u32 s1, $0x6;
	[sflag:s30] =	ssyncadd.s32 $0xFFFFF000  }
0x23: {  	s3 =	sshrl.u32 s3, $0x3;
	s5 =	sor.u32 $0x1C01, s31;
	[bflag:$0x0] =	sbarrier.arrive $0xFFFF  }
0x24: {  	[hbm:s4], [sflag:s5] =	dma.local [spmem:s3], $0x200  }
0x25: {  	_ =	swait.ge [sflag:s30], $0x200  }
0x26: {  	[sflag:s30] =	ssyncset.done $0x0  }
0x27: {  	[sflag:s30] =	ssyncadd.s32 $0xFFFFFE00  }
.LBB2_6:
0x28: {  	_ =	sfence.sel $0x180000  }
0x29: {  	[bflag:$0x0] =	sbarrier.arrive $0xFFFF  }
0x2a: {  	p0 =	sne.s32 s1, $0x0;
	_ =	strace $0x90000047  }
0x2b: {  	s0 =	sadd.s32 @!p0 $0x100000, s0;
	[bflag:$0x2] =	sbarrier.arrive $0xFFFF  }
0x2c: {  	[sflag:s0] =	ssyncadd.tile.s32 @!p0 $0x1;
	_ =	shalt  }
.Lfunc_end2:
_tile_overlayer_lowered:
.L_overlay_start_2:
0x2d: {  	(tag) =	ssettag $0x2  }
0x2e: {  	s0 =	rddreg [dreg:$0x0];
	s2 =	stileid.u32  }
0x2f: {  	s1 =	rddreg [dreg:$0x1];
	p0 =	sne.s32 s2, $0x0  }
0x30: {  	s3 =	rddreg [dreg:$0x2];
	[bflag:$0x3] =	sbarrier.arrive $0xFFFF;
	s2 =	simm.s32 @!p0 $0x1C01  }
0x31: {  	[timem:s3], [sflag:s2] =	dma.local @!p0 [hbm:s0], s1  }
0x32: {  	s0 =	simm.s32 @!p0 $0x1  }
0x33: {  	_ =	swait.ge @!p0 [sflag:s0], s1  }
0x34: {  	s1 =	ssub.s32 @!p0 $0x0, s1;
	[sflag:s0] =	ssyncset.done @!p0 $0x0  }
0x35: {  	[sflag:s0] =	ssyncadd.s32 @!p0 s1  }
0x36: {  	[bflag:$0x3] =	sbarrier.arrive $0xFFFF  }
0x37: {  	_ =	shalt  }

</sc_bundles>
